<compile_context>
chip_gen: v7x
topology: tpu7x:2x2x1
jax: 0.10.2.dev20260603
libtpu: 0.0.44.dev20260713+nightly
codegen_flags: <defaults>
</compile_context>

<pallas_src>
import jax
import jax.numpy as jnp
from jax import lax
from jax.experimental import pallas as pl
from jax.experimental.pallas import tpu as pltpu
from jax.experimental.pallas import tpu_sc as plsc

N = 10000
E = 320000
D = 128
ED = 16
C = 64
NW = 32
CHUNKS = 158
EPW = C * CHUNKS
EP = NW * EPW
SR = 624



def _ab_body(x_ref, ws_ref, wd_ref, a_ref, b_ref):
    x = x_ref[...]
    a_ref[...] = jnp.dot(x, ws_ref[...], preferred_element_type=jnp.float32)
    b_ref[...] = jnp.dot(x, wd_ref[...], preferred_element_type=jnp.float32)


def _ce_body(e_ref, we_ref, b_ref, c_ref):
    i = pl.program_id(0)
    eb = e_ref.shape[0]
    rows = lax.broadcasted_iota(jnp.int32, (eb, D), 0) + i * eb
    val = (
        jnp.dot(e_ref[...], we_ref[...], preferred_element_type=jnp.float32)
        + b_ref[...]
    )
    c_ref[...] = jnp.where(rows < E, val, -1e9)



def _sc_body(a_hbm, b_hbm, ce_hbm, sidx_hbm, didx_hbm, parts_hbm, degp_hbm,
             agg, si0, di0, di1, a_v, b_v, c_v, h_v, degl,
             sem_a, sem_b, sem_c, sem_s, sem_i):
    cid = lax.axis_index("c")
    sid = lax.axis_index("s")
    wid = sid * 2 + cid
    wbase = wid * EPW

    def zrow(i, carry):
        for j in range(D // 16):
            h_v[i, pl.ds(16 * j, 16)] = jnp.zeros((16,), jnp.float32)
        return carry

    lax.fori_loop(0, C, zrow, 0)

    def zdeg(i, carry):
        degl[pl.ds(16 * i, 16)] = jnp.zeros((16,), jnp.float32)
        return carry

    lax.fori_loop(0, N // 16, zdeg, 0)
    soff = pl.multiple_of(sid * SR, 8)
    for r in range(SR // C):
        pltpu.sync_copy(h_v, agg.at[pl.ds(soff + r * C, C)])
    pltpu.sync_copy(h_v.at[pl.ds(0, SR - (SR // C) * C)],
                    agg.at[pl.ds(soff + (SR // C) * C, SR - (SR // C) * C)])

    @pl.when(sid == 15)
    def _():
        pltpu.sync_copy(h_v.at[pl.ds(0, N - 16 * SR)],
                        agg.at[pl.ds(16 * SR, N - 16 * SR)])

    plsc.subcore_barrier()

    ones16 = jnp.full((16,), 1.0, jnp.float32)
    iota16 = lax.iota(jnp.int32, 16)

    def issue_idx(base):
        pltpu.async_copy(sidx_hbm.at[pl.ds(base, C)], si0, sem_i)
        pltpu.async_copy(didx_hbm.at[pl.ds(base, C)], di0, sem_i)

    def stage_scatter_idx():
        for k in range(C // 16):
            di1[pl.ds(16 * k, 16)] = di0[pl.ds(16 * k, 16)]

    issue_idx(wbase)
    pltpu.make_async_copy(sidx_hbm.at[pl.ds(wbase, C)], si0, sem_i).wait()
    pltpu.make_async_copy(didx_hbm.at[pl.ds(wbase, C)], di0, sem_i).wait()
    stage_scatter_idx()
    pltpu.async_copy(h_v, agg.at[di1], sem_s, add=True)

    def chunk(g, carry):
        base = wbase + g * C
        pltpu.async_copy(a_hbm.at[si0], a_v, sem_a)
        pltpu.async_copy(b_hbm.at[di0], b_v, sem_b)
        pltpu.async_copy(ce_hbm.at[pl.ds(base, C)], c_v, sem_c)

        for k in range(C // 16):
            idx16 = di0[pl.ds(16 * k, 16)]
            eid = base + 16 * k + iota16
            plsc.addupdate_scatter(degl, [idx16], ones16, mask=eid < E)

        pltpu.make_async_copy(a_hbm.at[si0], a_v, sem_a).wait()
        pltpu.make_async_copy(b_hbm.at[di0], b_v, sem_b).wait()
        pltpu.make_async_copy(ce_hbm.at[pl.ds(base, C)], c_v, sem_c).wait()
        pltpu.make_async_copy(h_v, agg.at[di1], sem_s).wait()
        stage_scatter_idx()
        issue_idx(base + C)

        def row(i, rcarry):
            for j in range(D // 16):
                s = pl.ds(16 * j, 16)
                h_v[i, s] = jnp.maximum(a_v[i, s] + b_v[i, s] + c_v[i, s], 0.0)
            return rcarry

        lax.fori_loop(0, C, row, 0)
        pltpu.async_copy(h_v, agg.at[di1], sem_s, add=True)
        pltpu.make_async_copy(sidx_hbm.at[pl.ds(base, C)], si0, sem_i).wait()
        pltpu.make_async_copy(didx_hbm.at[pl.ds(base, C)], di0, sem_i).wait()
        return carry

    lax.fori_loop(0, CHUNKS, chunk, 0)
    pltpu.make_async_copy(h_v, agg.at[di1], sem_s).wait()

    pltpu.sync_copy(degl, degp_hbm.at[wid, 0])
    plsc.subcore_barrier()
    pltpu.sync_copy(
        agg.at[pl.ds(soff, SR)],
        parts_hbm.at[cid, pl.ds(soff, SR)],
    )

    @pl.when(sid == 15)
    def _():
        pltpu.sync_copy(
            agg.at[pl.ds(16 * SR, N - 16 * SR)],
            parts_hbm.at[cid, pl.ds(16 * SR, N - 16 * SR)],
        )



def _deg_body(ones_ref, d_ref, o_ref):
    o_ref[...] = jnp.dot(ones_ref[...], d_ref[...],
                         preferred_element_type=jnp.float32)



def _post_body(x_ref, p0_ref, p1_ref, deg_ref, wm2_ref, bm2_ref,
               wu1x_ref, wu1a_ref, bu1_ref, wu2_ref, bu2_ref, g_ref, bt_ref,
               o_ref):
    aggh = p0_ref[...] + p1_ref[...]
    deg = deg_ref[...]
    x = x_ref[...]
    aggregated = (
        jnp.dot(aggh, wm2_ref[...], preferred_element_type=jnp.float32)
        + deg * bm2_ref[...]
    )
    h2 = jnp.maximum(
        jnp.dot(x, wu1x_ref[...], preferred_element_type=jnp.float32)
        + jnp.dot(aggregated, wu1a_ref[...], preferred_element_type=jnp.float32)
        + bu1_ref[...],
        0.0,
    )
    y = x + jnp.dot(h2, wu2_ref[...], preferred_element_type=jnp.float32) + bu2_ref[...]
    mu = jnp.mean(y, axis=1, keepdims=True)
    var = jnp.mean((y - mu) ** 2, axis=1, keepdims=True)
    o_ref[...] = (y - mu) * lax.rsqrt(var + 1e-5) * g_ref[...] + bt_ref[...]



def kernel(node_features, edge_index, edge_features, Wm1, bm1, Wm2, bm2,
           Wu1, bu1, Wu2, bu2, gamma, beta):
    f32 = jnp.float32
    e_pad = jnp.pad(edge_features, ((0, EP - E), (0, 0)))
    pad_idx = jnp.zeros((EP - E + C,), jnp.int32)
    sidx = jnp.concatenate([edge_index[0].astype(jnp.int32), pad_idx])
    didx = jnp.concatenate([edge_index[1].astype(jnp.int32), pad_idx])

    ws_t = Wm1[:, :D].T
    wd_t = Wm1[:, D:2 * D].T
    we_t = Wm1[:, 2 * D:].T

    a_tab, b_tab = pl.pallas_call(
        _ab_body,
        grid=(N // 1000,),
        in_specs=[
            pl.BlockSpec((1000, D), lambda i: (i, 0)),
            pl.BlockSpec((D, D), lambda i: (0, 0)),
            pl.BlockSpec((D, D), lambda i: (0, 0)),
        ],
        out_specs=[
            pl.BlockSpec((1000, D), lambda i: (i, 0)),
            pl.BlockSpec((1000, D), lambda i: (i, 0)),
        ],
        out_shape=[
            jax.ShapeDtypeStruct((N, D), f32),
            jax.ShapeDtypeStruct((N, D), f32),
        ],
    )(node_features, ws_t, wd_t)

    EB = 2048
    ce_tab = pl.pallas_call(
        _ce_body,
        grid=(EP // EB,),
        in_specs=[
            pl.BlockSpec((EB, ED), lambda i: (i, 0)),
            pl.BlockSpec((ED, D), lambda i: (0, 0)),
            pl.BlockSpec((1, D), lambda i: (0, 0)),
        ],
        out_specs=pl.BlockSpec((EB, D), lambda i: (i, 0)),
        out_shape=jax.ShapeDtypeStruct((EP, D), f32),
    )(e_pad, we_t, bm1.reshape(1, D))

    parts, degp = pl.kernel(
        _sc_body,
        out_type=(
            jax.ShapeDtypeStruct((2, N, D), f32),
            jax.ShapeDtypeStruct((NW, 1, N), f32),
        ),
        mesh=plsc.VectorSubcoreMesh(core_axis_name="c", subcore_axis_name="s"),
        compiler_params=pltpu.CompilerParams(needs_layout_passes=False),
        scratch_types=[
            pltpu.VMEM_SHARED((N, D), f32),
            pltpu.VMEM((C,), jnp.int32),
            pltpu.VMEM((C,), jnp.int32),
            pltpu.VMEM((C,), jnp.int32),
            pltpu.VMEM((C, D), f32),
            pltpu.VMEM((C, D), f32),
            pltpu.VMEM((C, D), f32),
            pltpu.VMEM((C, D), f32),
            pltpu.VMEM((N,), f32),
            pltpu.SemaphoreType.DMA,
            pltpu.SemaphoreType.DMA,
            pltpu.SemaphoreType.DMA,
            pltpu.SemaphoreType.DMA,
            pltpu.SemaphoreType.DMA,
        ],
    )(a_tab, b_tab, ce_tab, sidx, didx)

    degsum = pl.pallas_call(
        _deg_body,
        grid=(1,),
        in_specs=[
            pl.BlockSpec((1, NW), lambda i: (0, 0)),
            pl.BlockSpec((NW, N), lambda i: (0, 0)),
        ],
        out_specs=pl.BlockSpec((1, N), lambda i: (0, 0)),
        out_shape=jax.ShapeDtypeStruct((1, N), f32),
    )(jnp.ones((1, NW), f32), degp.reshape(NW, N))
    deg_col = degsum.reshape(N, 1)

    RB = 1000
    out = pl.pallas_call(
        _post_body,
        grid=(N // RB,),
        in_specs=[
            pl.BlockSpec((RB, D), lambda i: (i, 0)),
            pl.BlockSpec((RB, D), lambda i: (i, 0)),
            pl.BlockSpec((RB, D), lambda i: (i, 0)),
            pl.BlockSpec((RB, 1), lambda i: (i, 0)),
            pl.BlockSpec((D, D), lambda i: (0, 0)),
            pl.BlockSpec((1, D), lambda i: (0, 0)),
            pl.BlockSpec((D, D), lambda i: (0, 0)),
            pl.BlockSpec((D, D), lambda i: (0, 0)),
            pl.BlockSpec((1, D), lambda i: (0, 0)),
            pl.BlockSpec((D, D), lambda i: (0, 0)),
            pl.BlockSpec((1, D), lambda i: (0, 0)),
            pl.BlockSpec((1, D), lambda i: (0, 0)),
            pl.BlockSpec((1, D), lambda i: (0, 0)),
        ],
        out_specs=pl.BlockSpec((RB, D), lambda i: (i, 0)),
        out_shape=jax.ShapeDtypeStruct((N, D), f32),
    )(node_features, parts[0], parts[1], deg_col, Wm2.T, bm2.reshape(1, D),
      Wu1[:, :D].T, Wu1[:, D:].T, bu1.reshape(1, D), Wu2.T,
      bu2.reshape(1, D), gamma.reshape(1, D), beta.reshape(1, D))
    return out

# --- scband reference (transcript-rebuilt; emitter-appended) ---
"""Pipeline reference for scband-real-mpnnlayer-292057776274 (READ-ONLY COPY).

The authoritative reference and input builder live on the scoring server;
editing this copy changes nothing except your own understanding.
"""

import jax, jax.numpy as jnp
import numpy as np

N = 10000
E = 320000
NODE_DIM = 128
EDGE_DIM = 16
HIDDEN_DIM = 128


def setup_inputs(seed: int = 0) -> dict:
    key = jax.random.key(seed)
    ks = jax.random.split(key, 12)
    node_features = jax.random.normal(ks[0], (N, NODE_DIM), dtype=jnp.float32)
    edge_index = jax.random.randint(ks[1], (2, E), 0, N, dtype=jnp.int64)
    edge_features = jax.random.normal(ks[2], (E, EDGE_DIM), dtype=jnp.float32)
    # W_msg: Linear(2*node_dim+edge_dim -> hidden), ReLU, Linear(hidden -> hidden)
    in1 = 2 * NODE_DIM + EDGE_DIM
    s1 = 1.0 / np.sqrt(in1)
    Wm1 = jax.random.uniform(ks[3], (HIDDEN_DIM, in1), minval=-s1, maxval=s1, dtype=jnp.float32)
    bm1 = jax.random.uniform(ks[4], (HIDDEN_DIM,), minval=-s1, maxval=s1, dtype=jnp.float32)
    s2 = 1.0 / np.sqrt(HIDDEN_DIM)
    Wm2 = jax.random.uniform(ks[5], (HIDDEN_DIM, HIDDEN_DIM), minval=-s2, maxval=s2, dtype=jnp.float32)
    bm2 = jax.random.uniform(ks[6], (HIDDEN_DIM,), minval=-s2, maxval=s2, dtype=jnp.float32)
    # W_update: Linear(node_dim+hidden -> hidden), ReLU, Linear(hidden -> node_dim)
    in3 = NODE_DIM + HIDDEN_DIM
    s3 = 1.0 / np.sqrt(in3)
    Wu1 = jax.random.uniform(ks[7], (HIDDEN_DIM, in3), minval=-s3, maxval=s3, dtype=jnp.float32)
    bu1 = jax.random.uniform(ks[8], (HIDDEN_DIM,), minval=-s3, maxval=s3, dtype=jnp.float32)
    s4 = 1.0 / np.sqrt(HIDDEN_DIM)
    Wu2 = jax.random.uniform(ks[9], (NODE_DIM, HIDDEN_DIM), minval=-s4, maxval=s4, dtype=jnp.float32)
    bu2 = jax.random.uniform(ks[10], (NODE_DIM,), minval=-s4, maxval=s4, dtype=jnp.float32)
    gamma = jnp.ones((NODE_DIM,), dtype=jnp.float32)
    beta = jnp.zeros((NODE_DIM,), dtype=jnp.float32)
    return {
        'node_features': node_features,
        'edge_index': edge_index,
        'edge_features': edge_features,
        'Wm1': Wm1, 'bm1': bm1, 'Wm2': Wm2, 'bm2': bm2,
        'Wu1': Wu1, 'bu1': bu1, 'Wu2': Wu2, 'bu2': bu2,
        'gamma': gamma, 'beta': beta,
    }


def reference(node_features, edge_index, edge_features, Wm1, bm1, Wm2, bm2, Wu1, bu1, Wu2, bu2, gamma, beta):
    src_idx = edge_index[0]
    dst_idx = edge_index[1]
    src_features = jnp.take(node_features, src_idx, axis=0)
    dst_features = jnp.take(node_features, dst_idx, axis=0)
    message_input = jnp.concatenate([src_features, dst_features, edge_features], axis=-1)
    h = jax.nn.relu(message_input @ Wm1.T + bm1)
    messages = h @ Wm2.T + bm2
    aggregated = jnp.zeros((node_features.shape[0], HIDDEN_DIM), dtype=node_features.dtype).at[dst_idx].add(messages)
    update_input = jnp.concatenate([node_features, aggregated], axis=-1)
    h2 = jax.nn.relu(update_input @ Wu1.T + bu1)
    updates = h2 @ Wu2.T + bu2
    x = node_features + updates
    mean = jnp.mean(x, axis=-1, keepdims=True)
    var = jnp.var(x, axis=-1, keepdims=True)
    x_norm = (x - mean) / jnp.sqrt(var + 1e-5)
    return x_norm * gamma + beta

if __name__ == "__main__":
    import jax
    _d = setup_inputs()
    print(jax.jit(kernel)(*tuple(_d.values())))

</pallas_src>

<mosaic_0001>
#map = affine_map<(d0, d1) -> (0, 0)>
#map1 = affine_map<(d0, d1) -> (0)>
#map2 = affine_map<(d0, d1) -> (0, 0, 0)>
module attributes {stable_mosaic.version = 14 : i64} {
  func.func @_sc_body(%arg0: i32, %arg1: i32, %arg2: memref<10000x128xf32, #tpu.memory_space<hbm>>, %arg3: memref<10000x128xf32, #tpu.memory_space<hbm>>, %arg4: memref<323584x128xf32, #tpu.memory_space<hbm>>, %arg5: memref<323648xi32, #tpu.memory_space<hbm>>, %arg6: memref<323648xi32, #tpu.memory_space<hbm>>, %arg7: memref<2x10000x128xf32, #tpu.memory_space<hbm>>, %arg8: memref<32x1x10000xf32, #tpu.memory_space<hbm>>, %arg9: memref<10000x128xf32, #tpu.memory_space<vmem_shared>>, %arg10: memref<64xi32, #tpu.memory_space<vmem>>, %arg11: memref<64xi32, #tpu.memory_space<vmem>>, %arg12: memref<64xi32, #tpu.memory_space<vmem>>, %arg13: memref<64x128xf32, #tpu.memory_space<vmem>>, %arg14: memref<64x128xf32, #tpu.memory_space<vmem>>, %arg15: memref<64x128xf32, #tpu.memory_space<vmem>>, %arg16: memref<64x128xf32, #tpu.memory_space<vmem>>, %arg17: memref<10000xf32, #tpu.memory_space<vmem>>, %arg18: memref<!tpu.dma_semaphore, #tpu.memory_space<semaphore_mem>>, %arg19: memref<!tpu.dma_semaphore, #tpu.memory_space<semaphore_mem>>, %arg20: memref<!tpu.dma_semaphore, #tpu.memory_space<semaphore_mem>>, %arg21: memref<!tpu.dma_semaphore, #tpu.memory_space<semaphore_mem>>, %arg22: memref<!tpu.dma_semaphore, #tpu.memory_space<semaphore_mem>>) attributes {dimension_semantics = [#tpu.dimension_semantics<core_parallel>, #tpu.dimension_semantics<subcore_parallel>], iteration_bounds = array<i64: 2, 16>, scalar_prefetch = 0 : i64, scratch_operands = 14 : i64, tpu.core_type = #tpu.core_type<sc_vector_subcore>, window_params = [{transform_indices = #map}, {transform_indices = #map}, {transform_indices = #map}, {transform_indices = #map1}, {transform_indices = #map1}, {transform_indices = #map2}, {transform_indices = #map2}]} {
    %mul3A = arith.constant 2 : i32
    %mul3A_0 = arith.muli %arg1, %mul3A : i32
    %add3A = arith.addi %mul3A_0, %arg0 : i32
    %mul3A_1 = arith.constant 10112 : i32
    %mul3A_2 = arith.muli %add3A, %mul3A_1 : i32
    %scan3A = arith.constant 0 : i32
    %scan3A_3 = arith.constant 0 : i32
    %scan3A_4 = arith.constant 64 : i32
    %scan3A_5 = arith.addi %scan3A_3, %scan3A_4 : i32
    %scan3A_6 = arith.constant 1 : i32
    scf.for %scan3A_77 = %scan3A_3 to %scan3A_5 step %scan3A_6  : i32 {
      %broadcast_in_dim3A_78 = arith.constant 0.000000e+00 : f32
      %broadcast_in_dim3A_79 = vector.broadcast %broadcast_in_dim3A_78 : f32 to vector<16xf32>
      %swap3A_80 = arith.index_cast %scan3A_77 : i32 to index
      %swap3A_81 = arith.constant 0 : index
      %swap3A_82 = tpu.vector_load %arg16[%swap3A_80, %swap3A_81] {strides = array<i32>} : memref<64x128xf32, #tpu.memory_space<vmem>>, vector<16xf32>,
      tpu.vector_store %arg16[%swap3A_80, %swap3A_81], %broadcast_in_dim3A_79 {strides = array<i32>} : memref<64x128xf32, #tpu.memory_space<vmem>>, vector<16xf32>,
      %broadcast_in_dim3A_83 = arith.constant 0.000000e+00 : f32
      %broadcast_in_dim3A_84 = vector.broadcast %broadcast_in_dim3A_83 : f32 to vector<16xf32>
      %swap3A_85 = arith.index_cast %scan3A_77 : i32 to index
      %swap3A_86 = arith.constant 16 : index
      %swap3A_87 = tpu.vector_load %arg16[%swap3A_85, %swap3A_86] {strides = array<i32>} : memref<64x128xf32, #tpu.memory_space<vmem>>, vector<16xf32>,
      tpu.vector_store %arg16[%swap3A_85, %swap3A_86], %broadcast_in_dim3A_84 {strides = array<i32>} : memref<64x128xf32, #tpu.memory_space<vmem>>, vector<16xf32>,
      %broadcast_in_dim3A_88 = arith.constant 0.000000e+00 : f32
      %broadcast_in_dim3A_89 = vector.broadcast %broadcast_in_dim3A_88 : f32 to vector<16xf32>
      %swap3A_90 = arith.index_cast %scan3A_77 : i32 to index
      %swap3A_91 = arith.constant 32 : index
      %swap3A_92 = tpu.vector_load %arg16[%swap3A_90, %swap3A_91] {strides = array<i32>} : memref<64x128xf32, #tpu.memory_space<vmem>>, vector<16xf32>,
      tpu.vector_store %arg16[%swap3A_90, %swap3A_91], %broadcast_in_dim3A_89 {strides = array<i32>} : memref<64x128xf32, #tpu.memory_space<vmem>>, vector<16xf32>,
      %broadcast_in_dim3A_93 = arith.constant 0.000000e+00 : f32
      %broadcast_in_dim3A_94 = vector.broadcast %broadcast_in_dim3A_93 : f32 to vector<16xf32>
      %swap3A_95 = arith.index_cast %scan3A_77 : i32 to index
      %swap3A_96 = arith.constant 48 : index
      %swap3A_97 = tpu.vector_load %arg16[%swap3A_95, %swap3A_96] {strides = array<i32>} : memref<64x128xf32, #tpu.memory_space<vmem>>, vector<16xf32>,
      tpu.vector_store %arg16[%swap3A_95, %swap3A_96], %broadcast_in_dim3A_94 {strides = array<i32>} : memref<64x128xf32, #tpu.memory_space<vmem>>, vector<16xf32>,
      %broadcast_in_dim3A_98 = arith.constant 0.000000e+00 : f32
      %broadcast_in_dim3A_99 = vector.broadcast %broadcast_in_dim3A_98 : f32 to vector<16xf32>
      %swap3A_100 = arith.index_cast %scan3A_77 : i32 to index
      %swap3A_101 = arith.constant 64 : index
      %swap3A_102 = tpu.vector_load %arg16[%swap3A_100, %swap3A_101] {strides = array<i32>} : memref<64x128xf32, #tpu.memory_space<vmem>>, vector<16xf32>,
      tpu.vector_store %arg16[%swap3A_100, %swap3A_101], %broadcast_in_dim3A_99 {strides = array<i32>} : memref<64x128xf32, #tpu.memory_space<vmem>>, vector<16xf32>,
      %broadcast_in_dim3A_103 = arith.constant 0.000000e+00 : f32
      %broadcast_in_dim3A_104 = vector.broadcast %broadcast_in_dim3A_103 : f32 to vector<16xf32>
      %swap3A_105 = arith.index_cast %scan3A_77 : i32 to index
      %swap3A_106 = arith.constant 80 : index
      %swap3A_107 = tpu.vector_load %arg16[%swap3A_105, %swap3A_106] {strides = array<i32>} : memref<64x128xf32, #tpu.memory_space<vmem>>, vector<16xf32>,
      tpu.vector_store %arg16[%swap3A_105, %swap3A_106], %broadcast_in_dim3A_104 {strides = array<i32>} : memref<64x128xf32, #tpu.memory_space<vmem>>, vector<16xf32>,
      %broadcast_in_dim3A_108 = arith.constant 0.000000e+00 : f32
      %broadcast_in_dim3A_109 = vector.broadcast %broadcast_in_dim3A_108 : f32 to vector<16xf32>
      %swap3A_110 = arith.index_cast %scan3A_77 : i32 to index
      %swap3A_111 = arith.constant 96 : index
      %swap3A_112 = tpu.vector_load %arg16[%swap3A_110, %swap3A_111] {strides = array<i32>} : memref<64x128xf32, #tpu.memory_space<vmem>>, vector<16xf32>,
      tpu.vector_store %arg16[%swap3A_110, %swap3A_111], %broadcast_in_dim3A_109 {strides = array<i32>} : memref<64x128xf32, #tpu.memory_space<vmem>>, vector<16xf32>,
      %broadcast_in_dim3A_113 = arith.constant 0.000000e+00 : f32
      %broadcast_in_dim3A_114 = vector.broadcast %broadcast_in_dim3A_113 : f32 to vector<16xf32>
      %swap3A_115 = arith.index_cast %scan3A_77 : i32 to index
      %swap3A_116 = arith.constant 112 : index
      %swap3A_117 = tpu.vector_load %arg16[%swap3A_115, %swap3A_116] {strides = array<i32>} : memref<64x128xf32, #tpu.memory_space<vmem>>, vector<16xf32>,
      tpu.vector_store %arg16[%swap3A_115, %swap3A_116], %broadcast_in_dim3A_114 {strides = array<i32>} : memref<64x128xf32, #tpu.memory_space<vmem>>, vector<16xf32>,
    }
    %scan3A_7 = arith.constant 64 : i32
    %scan3A_8 = arith.constant 0 : i32
    %scan3A_9 = arith.constant 0 : i32
    %scan3A_10 = arith.constant 625 : i32
    %scan3A_11 = arith.addi %scan3A_9, %scan3A_10 : i32
    %scan3A_12 = arith.constant 1 : i32
    scf.for %scan3A_77 = %scan3A_9 to %scan3A_11 step %scan3A_12  : i32 {
      %broadcast_in_dim3A_78 = arith.constant 0.000000e+00 : f32
      %broadcast_in_dim3A_79 = vector.broadcast %broadcast_in_dim3A_78 : f32 to vector<16xf32>
      %mul3A_80 = arith.constant 16 : i32
      %mul3A_81 = arith.muli %mul3A_80, %scan3A_77 : i32
      %swap3A_82 = arith.index_cast %mul3A_81 : i32 to index
      %swap3A_83 = tpu.vector_load %arg17[%swap3A_82] {strides = array<i32>} : memref<10000xf32, #tpu.memory_space<vmem>>, vector<16xf32>,
      tpu.vector_store %arg17[%swap3A_82], %broadcast_in_dim3A_79 {strides = array<i32>} : memref<10000xf32, #tpu.memory_space<vmem>>, vector<16xf32>,
    }
    %scan3A_13 = arith.constant 625 : i32
    %mul3A_14 = arith.constant 624 : i32
    %mul3A_15 = arith.muli %arg1, %mul3A_14 : i32
    %multiple_of3A = tpu.assume_multiple %mul3A_15, 8 : i32
    %add3A_16 = arith.constant 0 : i32
    %add3A_17 = arith.addi %multiple_of3A, %add3A_16 : i32
    "tpu.region"() ({
      %run_scoped3A_77 = tpu.sem_alloc : memref<!tpu.dma_semaphore, #tpu.memory_space<semaphore_mem>>
      %dma_start3A_78 = arith.constant 0 : i32
      %dma_start3A_79 = tpu.memref_slice %arg9[%add3A_17, %dma_start3A_78] : memref<10000x128xf32, #tpu.memory_space<vmem_shared>> -> memref<64x128xf32, #tpu.memory_space<vmem_shared>>
      %dma_start3A_80 = arith.constant 0 : i32
      %dma_start3A_81 = tpu.memref_slice %arg9[%add3A_17, %dma_start3A_80] : memref<10000x128xf32, #tpu.memory_space<vmem_shared>> -> memref<64x128xf32, #tpu.memory_space<vmem_shared>>
      tpu.enqueue_dma source(%arg16 : memref<64x128xf32, #tpu.memory_space<vmem>>) target(%dma_start3A_81 : memref<64x128xf32, #tpu.memory_space<vmem_shared>>) target_semaphore(%run_scoped3A_77 : memref<!tpu.dma_semaphore, #tpu.memory_space<semaphore_mem>>)
      %dma_wait3A_82 = arith.constant 0 : i32
      %dma_wait3A_83 = tpu.memref_slice %arg9[%add3A_17, %dma_wait3A_82] : memref<10000x128xf32, #tpu.memory_space<vmem_shared>> -> memref<64x128xf32, #tpu.memory_space<vmem_shared>>
      %dma_wait3A_84 = arith.constant 0 : i32
      %dma_wait3A_85 = tpu.memref_slice %arg9[%add3A_17, %dma_wait3A_84] : memref<10000x128xf32, #tpu.memory_space<vmem_shared>> -> memref<64x128xf32, #tpu.memory_space<vmem_shared>>
      tpu.wait_dma2 semaphore(%run_scoped3A_77 : memref<!tpu.dma_semaphore, #tpu.memory_space<semaphore_mem>>) src(%arg16 : memref<64x128xf32, #tpu.memory_space<vmem>>) dst(%dma_wait3A_85 : memref<64x128xf32, #tpu.memory_space<vmem_shared>>)
      tpu.yield
    }) : () -> ()
    %add3A_18 = arith.constant 64 : i32
    %add3A_19 = arith.addi %multiple_of3A, %add3A_18 : i32
    "tpu.region"() ({
      %run_scoped3A_77 = tpu.sem_alloc : memref<!tpu.dma_semaphore, #tpu.memory_space<semaphore_mem>>
      %dma_start3A_78 = arith.constant 0 : i32
      %dma_start3A_79 = tpu.memref_slice %arg9[%add3A_19, %dma_start3A_78] : memref<10000x128xf32, #tpu.memory_space<vmem_shared>> -> memref<64x128xf32, #tpu.memory_space<vmem_shared>>
      %dma_start3A_80 = arith.constant 0 : i32
      %dma_start3A_81 = tpu.memref_slice %arg9[%add3A_19, %dma_start3A_80] : memref<10000x128xf32, #tpu.memory_space<vmem_shared>> -> memref<64x128xf32, #tpu.memory_space<vmem_shared>>
      tpu.enqueue_dma source(%arg16 : memref<64x128xf32, #tpu.memory_space<vmem>>) target(%dma_start3A_81 : memref<64x128xf32, #tpu.memory_space<vmem_shared>>) target_semaphore(%run_scoped3A_77 : memref<!tpu.dma_semaphore, #tpu.memory_space<semaphore_mem>>)
      %dma_wait3A_82 = arith.constant 0 : i32
      %dma_wait3A_83 = tpu.memref_slice %arg9[%add3A_19, %dma_wait3A_82] : memref<10000x128xf32, #tpu.memory_space<vmem_shared>> -> memref<64x128xf32, #tpu.memory_space<vmem_shared>>
      %dma_wait3A_84 = arith.constant 0 : i32
      %dma_wait3A_85 = tpu.memref_slice %arg9[%add3A_19, %dma_wait3A_84] : memref<10000x128xf32, #tpu.memory_space<vmem_shared>> -> memref<64x128xf32, #tpu.memory_space<vmem_shared>>
      tpu.wait_dma2 semaphore(%run_scoped3A_77 : memref<!tpu.dma_semaphore, #tpu.memory_space<semaphore_mem>>) src(%arg16 : memref<64x128xf32, #tpu.memory_space<vmem>>) dst(%dma_wait3A_85 : memref<64x128xf32, #tpu.memory_space<vmem_shared>>)
      tpu.yield
    }) : () -> ()
    %add3A_20 = arith.constant 128 : i32
    %add3A_21 = arith.addi %multiple_of3A, %add3A_20 : i32
    "tpu.region"() ({
      %run_scoped3A_77 = tpu.sem_alloc : memref<!tpu.dma_semaphore, #tpu.memory_space<semaphore_mem>>
      %dma_start3A_78 = arith.constant 0 : i32
      %dma_start3A_79 = tpu.memref_slice %arg9[%add3A_21, %dma_start3A_78] : memref<10000x128xf32, #tpu.memory_space<vmem_shared>> -> memref<64x128xf32, #tpu.memory_space<vmem_shared>>
      %dma_start3A_80 = arith.constant 0 : i32
      %dma_start3A_81 = tpu.memref_slice %arg9[%add3A_21, %dma_start3A_80] : memref<10000x128xf32, #tpu.memory_space<vmem_shared>> -> memref<64x128xf32, #tpu.memory_space<vmem_shared>>
      tpu.enqueue_dma source(%arg16 : memref<64x128xf32, #tpu.memory_space<vmem>>) target(%dma_start3A_81 : memref<64x128xf32, #tpu.memory_space<vmem_shared>>) target_semaphore(%run_scoped3A_77 : memref<!tpu.dma_semaphore, #tpu.memory_space<semaphore_mem>>)
      %dma_wait3A_82 = arith.constant 0 : i32
      %dma_wait3A_83 = tpu.memref_slice %arg9[%add3A_21, %dma_wait3A_82] : memref<10000x128xf32, #tpu.memory_space<vmem_shared>> -> memref<64x128xf32, #tpu.memory_space<vmem_shared>>
      %dma_wait3A_84 = arith.constant 0 : i32
      %dma_wait3A_85 = tpu.memref_slice %arg9[%add3A_21, %dma_wait3A_84] : memref<10000x128xf32, #tpu.memory_space<vmem_shared>> -> memref<64x128xf32, #tpu.memory_space<vmem_shared>>
      tpu.wait_dma2 semaphore(%run_scoped3A_77 : memref<!tpu.dma_semaphore, #tpu.memory_space<semaphore_mem>>) src(%arg16 : memref<64x128xf32, #tpu.memory_space<vmem>>) dst(%dma_wait3A_85 : memref<64x128xf32, #tpu.memory_space<vmem_shared>>)
      tpu.yield
    }) : () -> ()
    %add3A_22 = arith.constant 192 : i32
    %add3A_23 = arith.addi %multiple_of3A, %add3A_22 : i32
    "tpu.region"() ({
      %run_scoped3A_77 = tpu.sem_alloc : memref<!tpu.dma_semaphore, #tpu.memory_space<semaphore_mem>>
      %dma_start3A_78 = arith.constant 0 : i32
      %dma_start3A_79 = tpu.memref_slice %arg9[%add3A_23, %dma_start3A_78] : memref<10000x128xf32, #tpu.memory_space<vmem_shared>> -> memref<64x128xf32, #tpu.memory_space<vmem_shared>>
      %dma_start3A_80 = arith.constant 0 : i32
      %dma_start3A_81 = tpu.memref_slice %arg9[%add3A_23, %dma_start3A_80] : memref<10000x128xf32, #tpu.memory_space<vmem_shared>> -> memref<64x128xf32, #tpu.memory_space<vmem_shared>>
      tpu.enqueue_dma source(%arg16 : memref<64x128xf32, #tpu.memory_space<vmem>>) target(%dma_start3A_81 : memref<64x128xf32, #tpu.memory_space<vmem_shared>>) target_semaphore(%run_scoped3A_77 : memref<!tpu.dma_semaphore, #tpu.memory_space<semaphore_mem>>)
      %dma_wait3A_82 = arith.constant 0 : i32
      %dma_wait3A_83 = tpu.memref_slice %arg9[%add3A_23, %dma_wait3A_82] : memref<10000x128xf32, #tpu.memory_space<vmem_shared>> -> memref<64x128xf32, #tpu.memory_space<vmem_shared>>
      %dma_wait3A_84 = arith.constant 0 : i32
      %dma_wait3A_85 = tpu.memref_slice %arg9[%add3A_23, %dma_wait3A_84] : memref<10000x128xf32, #tpu.memory_space<vmem_shared>> -> memref<64x128xf32, #tpu.memory_space<vmem_shared>>
      tpu.wait_dma2 semaphore(%run_scoped3A_77 : memref<!tpu.dma_semaphore, #tpu.memory_space<semaphore_mem>>) src(%arg16 : memref<64x128xf32, #tpu.memory_space<vmem>>) dst(%dma_wait3A_85 : memref<64x128xf32, #tpu.memory_space<vmem_shared>>)
      tpu.yield
    }) : () -> ()
    %add3A_24 = arith.constant 256 : i32
    %add3A_25 = arith.addi %multiple_of3A, %add3A_24 : i32
    "tpu.region"() ({
      %run_scoped3A_77 = tpu.sem_alloc : memref<!tpu.dma_semaphore, #tpu.memory_space<semaphore_mem>>
      %dma_start3A_78 = arith.constant 0 : i32
      %dma_start3A_79 = tpu.memref_slice %arg9[%add3A_25, %dma_start3A_78] : memref<10000x128xf32, #tpu.memory_space<vmem_shared>> -> memref<64x128xf32, #tpu.memory_space<vmem_shared>>
      %dma_start3A_80 = arith.constant 0 : i32
      %dma_start3A_81 = tpu.memref_slice %arg9[%add3A_25, %dma_start3A_80] : memref<10000x128xf32, #tpu.memory_space<vmem_shared>> -> memref<64x128xf32, #tpu.memory_space<vmem_shared>>
      tpu.enqueue_dma source(%arg16 : memref<64x128xf32, #tpu.memory_space<vmem>>) target(%dma_start3A_81 : memref<64x128xf32, #tpu.memory_space<vmem_shared>>) target_semaphore(%run_scoped3A_77 : memref<!tpu.dma_semaphore, #tpu.memory_space<semaphore_mem>>)
      %dma_wait3A_82 = arith.constant 0 : i32
      %dma_wait3A_83 = tpu.memref_slice %arg9[%add3A_25, %dma_wait3A_82] : memref<10000x128xf32, #tpu.memory_space<vmem_shared>> -> memref<64x128xf32, #tpu.memory_space<vmem_shared>>
      %dma_wait3A_84 = arith.constant 0 : i32
      %dma_wait3A_85 = tpu.memref_slice %arg9[%add3A_25, %dma_wait3A_84] : memref<10000x128xf32, #tpu.memory_space<vmem_shared>> -> memref<64x128xf32, #tpu.memory_space<vmem_shared>>
      tpu.wait_dma2 semaphore(%run_scoped3A_77 : memref<!tpu.dma_semaphore, #tpu.memory_space<semaphore_mem>>) src(%arg16 : memref<64x128xf32, #tpu.memory_space<vmem>>) dst(%dma_wait3A_85 : memref<64x128xf32, #tpu.memory_space<vmem_shared>>)
      tpu.yield
    }) : () -> ()
    %add3A_26 = arith.constant 320 : i32
    %add3A_27 = arith.addi %multiple_of3A, %add3A_26 : i32
    "tpu.region"() ({
      %run_scoped3A_77 = tpu.sem_alloc : memref<!tpu.dma_semaphore, #tpu.memory_space<semaphore_mem>>
      %dma_start3A_78 = arith.constant 0 : i32
      %dma_start3A_79 = tpu.memref_slice %arg9[%add3A_27, %dma_start3A_78] : memref<10000x128xf32, #tpu.memory_space<vmem_shared>> -> memref<64x128xf32, #tpu.memory_space<vmem_shared>>
      %dma_start3A_80 = arith.constant 0 : i32
      %dma_start3A_81 = tpu.memref_slice %arg9[%add3A_27, %dma_start3A_80] : memref<10000x128xf32, #tpu.memory_space<vmem_shared>> -> memref<64x128xf32, #tpu.memory_space<vmem_shared>>
      tpu.enqueue_dma source(%arg16 : memref<64x128xf32, #tpu.memory_space<vmem>>) target(%dma_start3A_81 : memref<64x128xf32, #tpu.memory_space<vmem_shared>>) target_semaphore(%run_scoped3A_77 : memref<!tpu.dma_semaphore, #tpu.memory_space<semaphore_mem>>)
      %dma_wait3A_82 = arith.constant 0 : i32
      %dma_wait3A_83 = tpu.memref_slice %arg9[%add3A_27, %dma_wait3A_82] : memref<10000x128xf32, #tpu.memory_space<vmem_shared>> -> memref<64x128xf32, #tpu.memory_space<vmem_shared>>
      %dma_wait3A_84 = arith.constant 0 : i32
      %dma_wait3A_85 = tpu.memref_slice %arg9[%add3A_27, %dma_wait3A_84] : memref<10000x128xf32, #tpu.memory_space<vmem_shared>> -> memref<64x128xf32, #tpu.memory_space<vmem_shared>>
      tpu.wait_dma2 semaphore(%run_scoped3A_77 : memref<!tpu.dma_semaphore, #tpu.memory_space<semaphore_mem>>) src(%arg16 : memref<64x128xf32, #tpu.memory_space<vmem>>) dst(%dma_wait3A_85 : memref<64x128xf32, #tpu.memory_space<vmem_shared>>)
      tpu.yield
    }) : () -> ()
    %add3A_28 = arith.constant 384 : i32
    %add3A_29 = arith.addi %multiple_of3A, %add3A_28 : i32
    "tpu.region"() ({
      %run_scoped3A_77 = tpu.sem_alloc : memref<!tpu.dma_semaphore, #tpu.memory_space<semaphore_mem>>
      %dma_start3A_78 = arith.constant 0 : i32
      %dma_start3A_79 = tpu.memref_slice %arg9[%add3A_29, %dma_start3A_78] : memref<10000x128xf32, #tpu.memory_space<vmem_shared>> -> memref<64x128xf32, #tpu.memory_space<vmem_shared>>
      %dma_start3A_80 = arith.constant 0 : i32
      %dma_start3A_81 = tpu.memref_slice %arg9[%add3A_29, %dma_start3A_80] : memref<10000x128xf32, #tpu.memory_space<vmem_shared>> -> memref<64x128xf32, #tpu.memory_space<vmem_shared>>
      tpu.enqueue_dma source(%arg16 : memref<64x128xf32, #tpu.memory_space<vmem>>) target(%dma_start3A_81 : memref<64x128xf32, #tpu.memory_space<vmem_shared>>) target_semaphore(%run_scoped3A_77 : memref<!tpu.dma_semaphore, #tpu.memory_space<semaphore_mem>>)
      %dma_wait3A_82 = arith.constant 0 : i32
      %dma_wait3A_83 = tpu.memref_slice %arg9[%add3A_29, %dma_wait3A_82] : memref<10000x128xf32, #tpu.memory_space<vmem_shared>> -> memref<64x128xf32, #tpu.memory_space<vmem_shared>>
      %dma_wait3A_84 = arith.constant 0 : i32
      %dma_wait3A_85 = tpu.memref_slice %arg9[%add3A_29, %dma_wait3A_84] : memref<10000x128xf32, #tpu.memory_space<vmem_shared>> -> memref<64x128xf32, #tpu.memory_space<vmem_shared>>
      tpu.wait_dma2 semaphore(%run_scoped3A_77 : memref<!tpu.dma_semaphore, #tpu.memory_space<semaphore_mem>>) src(%arg16 : memref<64x128xf32, #tpu.memory_space<vmem>>) dst(%dma_wait3A_85 : memref<64x128xf32, #tpu.memory_space<vmem_shared>>)
      tpu.yield
    }) : () -> ()
    %add3A_30 = arith.constant 448 : i32
    %add3A_31 = arith.addi %multiple_of3A, %add3A_30 : i32
    "tpu.region"() ({
      %run_scoped3A_77 = tpu.sem_alloc : memref<!tpu.dma_semaphore, #tpu.memory_space<semaphore_mem>>
      %dma_start3A_78 = arith.constant 0 : i32
      %dma_start3A_79 = tpu.memref_slice %arg9[%add3A_31, %dma_start3A_78] : memref<10000x128xf32, #tpu.memory_space<vmem_shared>> -> memref<64x128xf32, #tpu.memory_space<vmem_shared>>
      %dma_start3A_80 = arith.constant 0 : i32
      %dma_start3A_81 = tpu.memref_slice %arg9[%add3A_31, %dma_start3A_80] : memref<10000x128xf32, #tpu.memory_space<vmem_shared>> -> memref<64x128xf32, #tpu.memory_space<vmem_shared>>
      tpu.enqueue_dma source(%arg16 : memref<64x128xf32, #tpu.memory_space<vmem>>) target(%dma_start3A_81 : memref<64x128xf32, #tpu.memory_space<vmem_shared>>) target_semaphore(%run_scoped3A_77 : memref<!tpu.dma_semaphore, #tpu.memory_space<semaphore_mem>>)
      %dma_wait3A_82 = arith.constant 0 : i32
      %dma_wait3A_83 = tpu.memref_slice %arg9[%add3A_31, %dma_wait3A_82] : memref<10000x128xf32, #tpu.memory_space<vmem_shared>> -> memref<64x128xf32, #tpu.memory_space<vmem_shared>>
      %dma_wait3A_84 = arith.constant 0 : i32
      %dma_wait3A_85 = tpu.memref_slice %arg9[%add3A_31, %dma_wait3A_84] : memref<10000x128xf32, #tpu.memory_space<vmem_shared>> -> memref<64x128xf32, #tpu.memory_space<vmem_shared>>
      tpu.wait_dma2 semaphore(%run_scoped3A_77 : memref<!tpu.dma_semaphore, #tpu.memory_space<semaphore_mem>>) src(%arg16 : memref<64x128xf32, #tpu.memory_space<vmem>>) dst(%dma_wait3A_85 : memref<64x128xf32, #tpu.memory_space<vmem_shared>>)
      tpu.yield
    }) : () -> ()
    %add3A_32 = arith.constant 512 : i32
    %add3A_33 = arith.addi %multiple_of3A, %add3A_32 : i32
    "tpu.region"() ({
      %run_scoped3A_77 = tpu.sem_alloc : memref<!tpu.dma_semaphore, #tpu.memory_space<semaphore_mem>>
      %dma_start3A_78 = arith.constant 0 : i32
      %dma_start3A_79 = tpu.memref_slice %arg9[%add3A_33, %dma_start3A_78] : memref<10000x128xf32, #tpu.memory_space<vmem_shared>> -> memref<64x128xf32, #tpu.memory_space<vmem_shared>>
      %dma_start3A_80 = arith.constant 0 : i32
      %dma_start3A_81 = tpu.memref_slice %arg9[%add3A_33, %dma_start3A_80] : memref<10000x128xf32, #tpu.memory_space<vmem_shared>> -> memref<64x128xf32, #tpu.memory_space<vmem_shared>>
      tpu.enqueue_dma source(%arg16 : memref<64x128xf32, #tpu.memory_space<vmem>>) target(%dma_start3A_81 : memref<64x128xf32, #tpu.memory_space<vmem_shared>>) target_semaphore(%run_scoped3A_77 : memref<!tpu.dma_semaphore, #tpu.memory_space<semaphore_mem>>)
      %dma_wait3A_82 = arith.constant 0 : i32
      %dma_wait3A_83 = tpu.memref_slice %arg9[%add3A_33, %dma_wait3A_82] : memref<10000x128xf32, #tpu.memory_space<vmem_shared>> -> memref<64x128xf32, #tpu.memory_space<vmem_shared>>
      %dma_wait3A_84 = arith.constant 0 : i32
      %dma_wait3A_85 = tpu.memref_slice %arg9[%add3A_33, %dma_wait3A_84] : memref<10000x128xf32, #tpu.memory_space<vmem_shared>> -> memref<64x128xf32, #tpu.memory_space<vmem_shared>>
      tpu.wait_dma2 semaphore(%run_scoped3A_77 : memref<!tpu.dma_semaphore, #tpu.memory_space<semaphore_mem>>) src(%arg16 : memref<64x128xf32, #tpu.memory_space<vmem>>) dst(%dma_wait3A_85 : memref<64x128xf32, #tpu.memory_space<vmem_shared>>)
      tpu.yield
    }) : () -> ()
    %add3A_34 = arith.constant 576 : i32
    %add3A_35 = arith.addi %multiple_of3A, %add3A_34 : i32
    "tpu.region"() ({
      %run_scoped3A_77 = tpu.sem_alloc : memref<!tpu.dma_semaphore, #tpu.memory_space<semaphore_mem>>
      %dma_start3A_78 = arith.constant 0 : i32
      %dma_start3A_79 = arith.constant 0 : i32
      %dma_start3A_80 = tpu.memref_slice %arg16[%dma_start3A_78, %dma_start3A_79] : memref<64x128xf32, #tpu.memory_space<vmem>> -> memref<48x128xf32, #tpu.memory_space<vmem>>
      %dma_start3A_81 = arith.constant 0 : i32
      %dma_start3A_82 = tpu.memref_slice %arg9[%add3A_35, %dma_start3A_81] : memref<10000x128xf32, #tpu.memory_space<vmem_shared>> -> memref<48x128xf32, #tpu.memory_space<vmem_shared>>
      %dma_start3A_83 = arith.constant 0 : i32
      %dma_start3A_84 = tpu.memref_slice %arg9[%add3A_35, %dma_start3A_83] : memref<10000x128xf32, #tpu.memory_space<vmem_shared>> -> memref<48x128xf32, #tpu.memory_space<vmem_shared>>
      %dma_start3A_85 = arith.constant 0 : i32
      %dma_start3A_86 = arith.constant 0 : i32
      %dma_start3A_87 = tpu.memref_slice %arg16[%dma_start3A_85, %dma_start3A_86] : memref<64x128xf32, #tpu.memory_space<vmem>> -> memref<48x128xf32, #tpu.memory_space<vmem>>
      tpu.enqueue_dma source(%dma_start3A_87 : memref<48x128xf32, #tpu.memory_space<vmem>>) target(%dma_start3A_84 : memref<48x128xf32, #tpu.memory_space<vmem_shared>>) target_semaphore(%run_scoped3A_77 : memref<!tpu.dma_semaphore, #tpu.memory_space<semaphore_mem>>)
      %dma_wait3A_88 = arith.constant 0 : i32
      %dma_wait3A_89 = arith.constant 0 : i32
      %dma_wait3A_90 = tpu.memref_slice %arg16[%dma_wait3A_88, %dma_wait3A_89] : memref<64x128xf32, #tpu.memory_space<vmem>> -> memref<48x128xf32, #tpu.memory_space<vmem>>
      %dma_wait3A_91 = arith.constant 0 : i32
      %dma_wait3A_92 = tpu.memref_slice %arg9[%add3A_35, %dma_wait3A_91] : memref<10000x128xf32, #tpu.memory_space<vmem_shared>> -> memref<48x128xf32, #tpu.memory_space<vmem_shared>>
      %dma_wait3A_93 = arith.constant 0 : i32
      %dma_wait3A_94 = tpu.memref_slice %arg9[%add3A_35, %dma_wait3A_93] : memref<10000x128xf32, #tpu.memory_space<vmem_shared>> -> memref<48x128xf32, #tpu.memory_space<vmem_shared>>
      %dma_wait3A_95 = arith.constant 0 : i32
      %dma_wait3A_96 = arith.constant 0 : i32
      %dma_wait3A_97 = tpu.memref_slice %arg16[%dma_wait3A_95, %dma_wait3A_96] : memref<64x128xf32, #tpu.memory_space<vmem>> -> memref<48x128xf32, #tpu.memory_space<vmem>>
      tpu.wait_dma2 semaphore(%run_scoped3A_77 : memref<!tpu.dma_semaphore, #tpu.memory_space<semaphore_mem>>) src(%dma_wait3A_97 : memref<48x128xf32, #tpu.memory_space<vmem>>) dst(%dma_wait3A_94 : memref<48x128xf32, #tpu.memory_space<vmem_shared>>)
      tpu.yield
    }) : () -> ()
    %eq3A = arith.constant 15 : i32
    %eq3A_36 = arith.cmpi eq, %arg1, %eq3A : i32
    %convert_element_type3A = arith.extui %eq3A_36 : i1 to i32
    %cond3A = arith.constant 0 : i32
    %cond3A_37 = arith.cmpi ne, %convert_element_type3A, %cond3A : i32
    scf.if %cond3A_37 {
      "tpu.region"() ({
        %run_scoped3A_77 = tpu.sem_alloc : memref<!tpu.dma_semaphore, #tpu.memory_space<semaphore_mem>>
        %dma_start3A_78 = arith.constant 0 : i32
        %dma_start3A_79 = arith.constant 0 : i32
        %dma_start3A_80 = tpu.memref_slice %arg16[%dma_start3A_78, %dma_start3A_79] : memref<64x128xf32, #tpu.memory_space<vmem>> -> memref<16x128xf32, #tpu.memory_space<vmem>>
        %dma_start3A_81 = arith.constant 9984 : i32
        %dma_start3A_82 = arith.constant 0 : i32
        %dma_start3A_83 = tpu.memref_slice %arg9[%dma_start3A_81, %dma_start3A_82] : memref<10000x128xf32, #tpu.memory_space<vmem_shared>> -> memref<16x128xf32, #tpu.memory_space<vmem_shared>>
        %dma_start3A_84 = arith.constant 9984 : i32
        %dma_start3A_85 = arith.constant 0 : i32
        %dma_start3A_86 = tpu.memref_slice %arg9[%dma_start3A_84, %dma_start3A_85] : memref<10000x128xf32, #tpu.memory_space<vmem_shared>> -> memref<16x128xf32, #tpu.memory_space<vmem_shared>>
        %dma_start3A_87 = arith.constant 0 : i32
        %dma_start3A_88 = arith.constant 0 : i32
        %dma_start3A_89 = tpu.memref_slice %arg16[%dma_start3A_87, %dma_start3A_88] : memref<64x128xf32, #tpu.memory_space<vmem>> -> memref<16x128xf32, #tpu.memory_space<vmem>>
        tpu.enqueue_dma source(%dma_start3A_89 : memref<16x128xf32, #tpu.memory_space<vmem>>) target(%dma_start3A_86 : memref<16x128xf32, #tpu.memory_space<vmem_shared>>) target_semaphore(%run_scoped3A_77 : memref<!tpu.dma_semaphore, #tpu.memory_space<semaphore_mem>>)
        %dma_wait3A_90 = arith.constant 0 : i32
        %dma_wait3A_91 = arith.constant 0 : i32
        %dma_wait3A_92 = tpu.memref_slice %arg16[%dma_wait3A_90, %dma_wait3A_91] : memref<64x128xf32, #tpu.memory_space<vmem>> -> memref<16x128xf32, #tpu.memory_space<vmem>>
        %dma_wait3A_93 = arith.constant 9984 : i32
        %dma_wait3A_94 = arith.constant 0 : i32
        %dma_wait3A_95 = tpu.memref_slice %arg9[%dma_wait3A_93, %dma_wait3A_94] : memref<10000x128xf32, #tpu.memory_space<vmem_shared>> -> memref<16x128xf32, #tpu.memory_space<vmem_shared>>
        %dma_wait3A_96 = arith.constant 9984 : i32
        %dma_wait3A_97 = arith.constant 0 : i32
        %dma_wait3A_98 = tpu.memref_slice %arg9[%dma_wait3A_96, %dma_wait3A_97] : memref<10000x128xf32, #tpu.memory_space<vmem_shared>> -> memref<16x128xf32, #tpu.memory_space<vmem_shared>>
        %dma_wait3A_99 = arith.constant 0 : i32
        %dma_wait3A_100 = arith.constant 0 : i32
        %dma_wait3A_101 = tpu.memref_slice %arg16[%dma_wait3A_99, %dma_wait3A_100] : memref<64x128xf32, #tpu.memory_space<vmem>> -> memref<16x128xf32, #tpu.memory_space<vmem>>
        tpu.wait_dma2 semaphore(%run_scoped3A_77 : memref<!tpu.dma_semaphore, #tpu.memory_space<semaphore_mem>>) src(%dma_wait3A_101 : memref<16x128xf32, #tpu.memory_space<vmem>>) dst(%dma_wait3A_98 : memref<16x128xf32, #tpu.memory_space<vmem_shared>>)
        tpu.yield
      }) : () -> ()
    } else {
    }
    %barrier3A = arith.constant 0 : index
    tpu.barrier barrier_id(%barrier3A)
    %broadcast_in_dim3A = arith.constant 1.000000e+00 : f32
    %broadcast_in_dim3A_38 = vector.broadcast %broadcast_in_dim3A : f32 to vector<16xf32>
    %iota3A = tpu.iota {dimensions = array<i32: 0>} : vector<16xi32>
    %dma_start3A = tpu.memref_slice %arg5[%mul3A_2] : memref<323648xi32, #tpu.memory_space<hbm>> -> memref<64xi32, #tpu.memory_space<hbm>>
    %dma_start3A_39 = tpu.memref_slice %arg5[%mul3A_2] : memref<323648xi32, #tpu.memory_space<hbm>> -> memref<64xi32, #tpu.memory_space<hbm>>
    tpu.enqueue_dma source(%dma_start3A_39 : memref<64xi32, #tpu.memory_space<hbm>>) target(%arg10 : memref<64xi32, #tpu.memory_space<vmem>>) target_semaphore(%arg22 : memref<!tpu.dma_semaphore, #tpu.memory_space<semaphore_mem>>)
    %dma_start3A_40 = tpu.memref_slice %arg6[%mul3A_2] : memref<323648xi32, #tpu.memory_space<hbm>> -> memref<64xi32, #tpu.memory_space<hbm>>
    %dma_start3A_41 = tpu.memref_slice %arg6[%mul3A_2] : memref<323648xi32, #tpu.memory_space<hbm>> -> memref<64xi32, #tpu.memory_space<hbm>>
    tpu.enqueue_dma source(%dma_start3A_41 : memref<64xi32, #tpu.memory_space<hbm>>) target(%arg11 : memref<64xi32, #tpu.memory_space<vmem>>) target_semaphore(%arg22 : memref<!tpu.dma_semaphore, #tpu.memory_space<semaphore_mem>>)
    %dma_wait3A = tpu.memref_slice %arg5[%mul3A_2] : memref<323648xi32, #tpu.memory_space<hbm>> -> memref<64xi32, #tpu.memory_space<hbm>>
    %dma_wait3A_42 = tpu.memref_slice %arg5[%mul3A_2] : memref<323648xi32, #tpu.memory_space<hbm>> -> memref<64xi32, #tpu.memory_space<hbm>>
    tpu.wait_dma2 semaphore(%arg22 : memref<!tpu.dma_semaphore, #tpu.memory_space<semaphore_mem>>) src(%dma_wait3A_42 : memref<64xi32, #tpu.memory_space<hbm>>) dst(%arg10 : memref<64xi32, #tpu.memory_space<vmem>>)
    %dma_wait3A_43 = tpu.memref_slice %arg6[%mul3A_2] : memref<323648xi32, #tpu.memory_space<hbm>> -> memref<64xi32, #tpu.memory_space<hbm>>
    %dma_wait3A_44 = tpu.memref_slice %arg6[%mul3A_2] : memref<323648xi32, #tpu.memory_space<hbm>> -> memref<64xi32, #tpu.memory_space<hbm>>
    tpu.wait_dma2 semaphore(%arg22 : memref<!tpu.dma_semaphore, #tpu.memory_space<semaphore_mem>>) src(%dma_wait3A_44 : memref<64xi32, #tpu.memory_space<hbm>>) dst(%arg11 : memref<64xi32, #tpu.memory_space<vmem>>)
    %get3A = arith.constant 0 : index
    %get3A_45 = tpu.vector_load %arg11[%get3A] {strides = array<i32>} : memref<64xi32, #tpu.memory_space<vmem>>, vector<16xi32>,
    %swap3A = arith.constant 0 : index
    %swap3A_46 = tpu.vector_load %arg12[%swap3A] {strides = array<i32>} : memref<64xi32, #tpu.memory_space<vmem>>, vector<16xi32>,
    tpu.vector_store %arg12[%swap3A], %get3A_45 {strides = array<i32>} : memref<64xi32, #tpu.memory_space<vmem>>, vector<16xi32>,
    %get3A_47 = arith.constant 16 : index
    %get3A_48 = tpu.vector_load %arg11[%get3A_47] {strides = array<i32>} : memref<64xi32, #tpu.memory_space<vmem>>, vector<16xi32>,
    %swap3A_49 = arith.constant 16 : index
    %swap3A_50 = tpu.vector_load %arg12[%swap3A_49] {strides = array<i32>} : memref<64xi32, #tpu.memory_space<vmem>>, vector<16xi32>,
    tpu.vector_store %arg12[%swap3A_49], %get3A_48 {strides = array<i32>} : memref<64xi32, #tpu.memory_space<vmem>>, vector<16xi32>,
    %get3A_51 = arith.constant 32 : index
    %get3A_52 = tpu.vector_load %arg11[%get3A_51] {strides = array<i32>} : memref<64xi32, #tpu.memory_space<vmem>>, vector<16xi32>,
    %swap3A_53 = arith.constant 32 : index
    %swap3A_54 = tpu.vector_load %arg12[%swap3A_53] {strides = array<i32>} : memref<64xi32, #tpu.memory_space<vmem>>, vector<16xi32>,
    tpu.vector_store %arg12[%swap3A_53], %get3A_52 {strides = array<i32>} : memref<64xi32, #tpu.memory_space<vmem>>, vector<16xi32>,
    %get3A_55 = arith.constant 48 : index
    %get3A_56 = tpu.vector_load %arg11[%get3A_55] {strides = array<i32>} : memref<64xi32, #tpu.memory_space<vmem>>, vector<16xi32>,
    %swap3A_57 = arith.constant 48 : index
    %swap3A_58 = tpu.vector_load %arg12[%swap3A_57] {strides = array<i32>} : memref<64xi32, #tpu.memory_space<vmem>>, vector<16xi32>,
    tpu.vector_store %arg12[%swap3A_57], %get3A_56 {strides = array<i32>} : memref<64xi32, #tpu.memory_space<vmem>>, vector<16xi32>,
    %dma_start3A_59 = arith.constant 0 : i32
    %dma_start3A_60 = arith.constant 0 : i32
    %dma_start3A_61 = tpu.memref_slice %arg9[%dma_start3A_59, %dma_start3A_60] : memref<10000x128xf32, #tpu.memory_space<vmem_shared>> -> memref<10000x128xf32, #tpu.memory_space<vmem_shared>>
    tpu.enqueue_indirect_dma source(%arg16 : memref<64x128xf32, #tpu.memory_space<vmem>>) target(%dma_start3A_61 : memref<10000x128xf32, #tpu.memory_space<vmem_shared>>) offsets(%arg12 : memref<64xi32, #tpu.memory_space<vmem>>) semaphore(%arg21 : memref<!tpu.dma_semaphore, #tpu.memory_space<semaphore_mem>>) {add = true}
    %scan3A_62 = arith.constant 0 : i32
    %scan3A_63 = arith.constant 0 : i32
    %scan3A_64 = arith.constant 158 : i32
    %scan3A_65 = arith.addi %scan3A_63, %scan3A_64 : i32
    %scan3A_66 = arith.constant 1 : i32
    scf.for %scan3A_77 = %scan3A_63 to %scan3A_65 step %scan3A_66  : i32 {
      %mul3A_78 = arith.constant 64 : i32
      %mul3A_79 = arith.muli %scan3A_77, %mul3A_78 : i32
      %add3A_80 = arith.addi %mul3A_2, %mul3A_79 : i32
      %dma_start3A_81 = arith.constant 0 : i32
      %dma_start3A_82 = arith.constant 0 : i32
      %dma_start3A_83 = tpu.memref_slice %arg2[%dma_start3A_81, %dma_start3A_82] : memref<10000x128xf32, #tpu.memory_space<hbm>> -> memref<10000x128xf32, #tpu.memory_space<hbm>>
      tpu.enqueue_indirect_dma source(%dma_start3A_83 : memref<10000x128xf32, #tpu.memory_space<hbm>>) target(%arg13 : memref<64x128xf32, #tpu.memory_space<vmem>>) offsets(%arg10 : memref<64xi32, #tpu.memory_space<vmem>>) semaphore(%arg18 : memref<!tpu.dma_semaphore, #tpu.memory_space<semaphore_mem>>)
      %dma_start3A_84 = arith.constant 0 : i32
      %dma_start3A_85 = arith.constant 0 : i32
      %dma_start3A_86 = tpu.memref_slice %arg3[%dma_start3A_84, %dma_start3A_85] : memref<10000x128xf32, #tpu.memory_space<hbm>> -> memref<10000x128xf32, #tpu.memory_space<hbm>>
      tpu.enqueue_indirect_dma source(%dma_start3A_86 : memref<10000x128xf32, #tpu.memory_space<hbm>>) target(%arg14 : memref<64x128xf32, #tpu.memory_space<vmem>>) offsets(%arg11 : memref<64xi32, #tpu.memory_space<vmem>>) semaphore(%arg19 : memref<!tpu.dma_semaphore, #tpu.memory_space<semaphore_mem>>)
      %dma_start3A_87 = arith.constant 0 : i32
      %dma_start3A_88 = tpu.memref_slice %arg4[%add3A_80, %dma_start3A_87] : memref<323584x128xf32, #tpu.memory_space<hbm>> -> memref<64x128xf32, #tpu.memory_space<hbm>>
      %dma_start3A_89 = arith.constant 0 : i32
      %dma_start3A_90 = tpu.memref_slice %arg4[%add3A_80, %dma_start3A_89] : memref<323584x128xf32, #tpu.memory_space<hbm>> -> memref<64x128xf32, #tpu.memory_space<hbm>>
      tpu.enqueue_dma source(%dma_start3A_90 : memref<64x128xf32, #tpu.memory_space<hbm>>) target(%arg15 : memref<64x128xf32, #tpu.memory_space<vmem>>) target_semaphore(%arg20 : memref<!tpu.dma_semaphore, #tpu.memory_space<semaphore_mem>>)
      %get3A_91 = arith.constant 0 : index
      %get3A_92 = tpu.vector_load %arg11[%get3A_91] {strides = array<i32>} : memref<64xi32, #tpu.memory_space<vmem>>, vector<16xi32>,
      %add3A_93 = arith.constant 0 : i32
      %add3A_94 = arith.addi %add3A_80, %add3A_93 : i32
      %add3A_95 = vector.broadcast %add3A_94 : i32 to vector<16xi32>
      %add3A_96 = arith.addi %add3A_95, %iota3A : vector<16xi32>
      %lt3A = arith.constant 320000 : i32
      %lt3A_97 = vector.broadcast %lt3A : i32 to vector<16xi32>
      %lt3A_98 = arith.cmpi slt, %add3A_96, %lt3A_97 : vector<16xi32>
      tpu.vector_store_idx %arg17[%get3A_92], %broadcast_in_dim3A_38 masked %lt3A_98 {add = true} : memref<10000xf32, #tpu.memory_space<vmem>>[vector<16xi32>], vector<16xf32>, vector<16xi1>
      %get3A_99 = arith.constant 16 : index
      %get3A_100 = tpu.vector_load %arg11[%get3A_99] {strides = array<i32>} : memref<64xi32, #tpu.memory_space<vmem>>, vector<16xi32>,
      %add3A_101 = arith.constant 16 : i32
      %add3A_102 = arith.addi %add3A_80, %add3A_101 : i32
      %add3A_103 = vector.broadcast %add3A_102 : i32 to vector<16xi32>
      %add3A_104 = arith.addi %add3A_103, %iota3A : vector<16xi32>
      %lt3A_105 = arith.constant 320000 : i32
      %lt3A_106 = vector.broadcast %lt3A_105 : i32 to vector<16xi32>
      %lt3A_107 = arith.cmpi slt, %add3A_104, %lt3A_106 : vector<16xi32>
      tpu.vector_store_idx %arg17[%get3A_100], %broadcast_in_dim3A_38 masked %lt3A_107 {add = true} : memref<10000xf32, #tpu.memory_space<vmem>>[vector<16xi32>], vector<16xf32>, vector<16xi1>
      %get3A_108 = arith.constant 32 : index
      %get3A_109 = tpu.vector_load %arg11[%get3A_108] {strides = array<i32>} : memref<64xi32, #tpu.memory_space<vmem>>, vector<16xi32>,
      %add3A_110 = arith.constant 32 : i32
      %add3A_111 = arith.addi %add3A_80, %add3A_110 : i32
      %add3A_112 = vector.broadcast %add3A_111 : i32 to vector<16xi32>
      %add3A_113 = arith.addi %add3A_112, %iota3A : vector<16xi32>
      %lt3A_114 = arith.constant 320000 : i32
      %lt3A_115 = vector.broadcast %lt3A_114 : i32 to vector<16xi32>
      %lt3A_116 = arith.cmpi slt, %add3A_113, %lt3A_115 : vector<16xi32>
      tpu.vector_store_idx %arg17[%get3A_109], %broadcast_in_dim3A_38 masked %lt3A_116 {add = true} : memref<10000xf32, #tpu.memory_space<vmem>>[vector<16xi32>], vector<16xf32>, vector<16xi1>
      %get3A_117 = arith.constant 48 : index
      %get3A_118 = tpu.vector_load %arg11[%get3A_117] {strides = array<i32>} : memref<64xi32, #tpu.memory_space<vmem>>, vector<16xi32>,
      %add3A_119 = arith.constant 48 : i32
      %add3A_120 = arith.addi %add3A_80, %add3A_119 : i32
      %add3A_121 = vector.broadcast %add3A_120 : i32 to vector<16xi32>
      %add3A_122 = arith.addi %add3A_121, %iota3A : vector<16xi32>
      %lt3A_123 = arith.constant 320000 : i32
      %lt3A_124 = vector.broadcast %lt3A_123 : i32 to vector<16xi32>
      %lt3A_125 = arith.cmpi slt, %add3A_122, %lt3A_124 : vector<16xi32>
      tpu.vector_store_idx %arg17[%get3A_118], %broadcast_in_dim3A_38 masked %lt3A_125 {add = true} : memref<10000xf32, #tpu.memory_space<vmem>>[vector<16xi32>], vector<16xf32>, vector<16xi1>
      %dma_wait3A_126 = arith.constant 0 : i32
      %dma_wait3A_127 = arith.constant 0 : i32
      %dma_wait3A_128 = tpu.memref_slice %arg2[%dma_wait3A_126, %dma_wait3A_127] : memref<10000x128xf32, #tpu.memory_space<hbm>> -> memref<10000x128xf32, #tpu.memory_space<hbm>>
      tpu.wait_indirect_dma semaphore(%arg18 : memref<!tpu.dma_semaphore, #tpu.memory_space<semaphore_mem>>) src(%dma_wait3A_128 : memref<10000x128xf32, #tpu.memory_space<hbm>>) dst(%arg13 : memref<64x128xf32, #tpu.memory_space<vmem>>)
      %dma_wait3A_129 = arith.constant 0 : i32
      %dma_wait3A_130 = arith.constant 0 : i32
      %dma_wait3A_131 = tpu.memref_slice %arg3[%dma_wait3A_129, %dma_wait3A_130] : memref<10000x128xf32, #tpu.memory_space<hbm>> -> memref<10000x128xf32, #tpu.memory_space<hbm>>
      tpu.wait_indirect_dma semaphore(%arg19 : memref<!tpu.dma_semaphore, #tpu.memory_space<semaphore_mem>>) src(%dma_wait3A_131 : memref<10000x128xf32, #tpu.memory_space<hbm>>) dst(%arg14 : memref<64x128xf32, #tpu.memory_space<vmem>>)
      %dma_wait3A_132 = arith.constant 0 : i32
      %dma_wait3A_133 = tpu.memref_slice %arg4[%add3A_80, %dma_wait3A_132] : memref<323584x128xf32, #tpu.memory_space<hbm>> -> memref<64x128xf32, #tpu.memory_space<hbm>>
      %dma_wait3A_134 = arith.constant 0 : i32
      %dma_wait3A_135 = tpu.memref_slice %arg4[%add3A_80, %dma_wait3A_134] : memref<323584x128xf32, #tpu.memory_space<hbm>> -> memref<64x128xf32, #tpu.memory_space<hbm>>
      tpu.wait_dma2 semaphore(%arg20 : memref<!tpu.dma_semaphore, #tpu.memory_space<semaphore_mem>>) src(%dma_wait3A_135 : memref<64x128xf32, #tpu.memory_space<hbm>>) dst(%arg15 : memref<64x128xf32, #tpu.memory_space<vmem>>)
      %dma_wait3A_136 = arith.constant 0 : i32
      %dma_wait3A_137 = arith.constant 0 : i32
      %dma_wait3A_138 = tpu.memref_slice %arg9[%dma_wait3A_136, %dma_wait3A_137] : memref<10000x128xf32, #tpu.memory_space<vmem_shared>> -> memref<10000x128xf32, #tpu.memory_space<vmem_shared>>
      tpu.wait_indirect_dma semaphore(%arg21 : memref<!tpu.dma_semaphore, #tpu.memory_space<semaphore_mem>>) src(%arg16 : memref<64x128xf32, #tpu.memory_space<vmem>>) dst(%dma_wait3A_138 : memref<10000x128xf32, #tpu.memory_space<vmem_shared>>)
      %get3A_139 = arith.constant 0 : index
      %get3A_140 = tpu.vector_load %arg11[%get3A_139] {strides = array<i32>} : memref<64xi32, #tpu.memory_space<vmem>>, vector<16xi32>,
      %swap3A_141 = arith.constant 0 : index
      %swap3A_142 = tpu.vector_load %arg12[%swap3A_141] {strides = array<i32>} : memref<64xi32, #tpu.memory_space<vmem>>, vector<16xi32>,
      tpu.vector_store %arg12[%swap3A_141], %get3A_140 {strides = array<i32>} : memref<64xi32, #tpu.memory_space<vmem>>, vector<16xi32>,
      %get3A_143 = arith.constant 16 : index
      %get3A_144 = tpu.vector_load %arg11[%get3A_143] {strides = array<i32>} : memref<64xi32, #tpu.memory_space<vmem>>, vector<16xi32>,
      %swap3A_145 = arith.constant 16 : index
      %swap3A_146 = tpu.vector_load %arg12[%swap3A_145] {strides = array<i32>} : memref<64xi32, #tpu.memory_space<vmem>>, vector<16xi32>,
      tpu.vector_store %arg12[%swap3A_145], %get3A_144 {strides = array<i32>} : memref<64xi32, #tpu.memory_space<vmem>>, vector<16xi32>,
      %get3A_147 = arith.constant 32 : index
      %get3A_148 = tpu.vector_load %arg11[%get3A_147] {strides = array<i32>} : memref<64xi32, #tpu.memory_space<vmem>>, vector<16xi32>,
      %swap3A_149 = arith.constant 32 : index
      %swap3A_150 = tpu.vector_load %arg12[%swap3A_149] {strides = array<i32>} : memref<64xi32, #tpu.memory_space<vmem>>, vector<16xi32>,
      tpu.vector_store %arg12[%swap3A_149], %get3A_148 {strides = array<i32>} : memref<64xi32, #tpu.memory_space<vmem>>, vector<16xi32>,
      %get3A_151 = arith.constant 48 : index
      %get3A_152 = tpu.vector_load %arg11[%get3A_151] {strides = array<i32>} : memref<64xi32, #tpu.memory_space<vmem>>, vector<16xi32>,
      %swap3A_153 = arith.constant 48 : index
      %swap3A_154 = tpu.vector_load %arg12[%swap3A_153] {strides = array<i32>} : memref<64xi32, #tpu.memory_space<vmem>>, vector<16xi32>,
      tpu.vector_store %arg12[%swap3A_153], %get3A_152 {strides = array<i32>} : memref<64xi32, #tpu.memory_space<vmem>>, vector<16xi32>,
      %add3A_155 = arith.constant 64 : i32
      %add3A_156 = arith.addi %add3A_80, %add3A_155 : i32
      %dma_start3A_157 = tpu.memref_slice %arg5[%add3A_156] : memref<323648xi32, #tpu.memory_space<hbm>> -> memref<64xi32, #tpu.memory_space<hbm>>
      %dma_start3A_158 = tpu.memref_slice %arg5[%add3A_156] : memref<323648xi32, #tpu.memory_space<hbm>> -> memref<64xi32, #tpu.memory_space<hbm>>
      tpu.enqueue_dma source(%dma_start3A_158 : memref<64xi32, #tpu.memory_space<hbm>>) target(%arg10 : memref<64xi32, #tpu.memory_space<vmem>>) target_semaphore(%arg22 : memref<!tpu.dma_semaphore, #tpu.memory_space<semaphore_mem>>)
      %dma_start3A_159 = tpu.memref_slice %arg6[%add3A_156] : memref<323648xi32, #tpu.memory_space<hbm>> -> memref<64xi32, #tpu.memory_space<hbm>>
      %dma_start3A_160 = tpu.memref_slice %arg6[%add3A_156] : memref<323648xi32, #tpu.memory_space<hbm>> -> memref<64xi32, #tpu.memory_space<hbm>>
      tpu.enqueue_dma source(%dma_start3A_160 : memref<64xi32, #tpu.memory_space<hbm>>) target(%arg11 : memref<64xi32, #tpu.memory_space<vmem>>) target_semaphore(%arg22 : memref<!tpu.dma_semaphore, #tpu.memory_space<semaphore_mem>>)
      %scan3A_161 = arith.constant 0 : i32
      %scan3A_162 = arith.constant 0 : i32
      %scan3A_163 = arith.constant 64 : i32
      %scan3A_164 = arith.addi %scan3A_162, %scan3A_163 : i32
      %scan3A_165 = arith.constant 1 : i32
      scf.for %scan3A_174 = %scan3A_162 to %scan3A_164 step %scan3A_165  : i32 {
        %get3A_175 = arith.index_cast %scan3A_174 : i32 to index
        %get3A_176 = arith.constant 0 : index
        %get3A_177 = tpu.vector_load %arg13[%get3A_175, %get3A_176] {strides = array<i32>} : memref<64x128xf32, #tpu.memory_space<vmem>>, vector<16xf32>,
        %get3A_178 = arith.index_cast %scan3A_174 : i32 to index
        %get3A_179 = arith.constant 0 : index
        %get3A_180 = tpu.vector_load %arg14[%get3A_178, %get3A_179] {strides = array<i32>} : memref<64x128xf32, #tpu.memory_space<vmem>>, vector<16xf32>,
        %add3A_181 = arith.addf %get3A_177, %get3A_180 : vector<16xf32>
        %get3A_182 = arith.index_cast %scan3A_174 : i32 to index
        %get3A_183 = arith.constant 0 : index
        %get3A_184 = tpu.vector_load %arg15[%get3A_182, %get3A_183] {strides = array<i32>} : memref<64x128xf32, #tpu.memory_space<vmem>>, vector<16xf32>,
        %add3A_185 = arith.addf %add3A_181, %get3A_184 : vector<16xf32>
        %max3A = arith.constant 0.000000e+00 : f32
        %max3A_186 = vector.broadcast %max3A : f32 to vector<16xf32>
        %max3A_187 = arith.maximumf %add3A_185, %max3A_186 : vector<16xf32>
        %swap3A_188 = arith.index_cast %scan3A_174 : i32 to index
        %swap3A_189 = arith.constant 0 : index
        %swap3A_190 = tpu.vector_load %arg16[%swap3A_188, %swap3A_189] {strides = array<i32>} : memref<64x128xf32, #tpu.memory_space<vmem>>, vector<16xf32>,
        tpu.vector_store %arg16[%swap3A_188, %swap3A_189], %max3A_187 {strides = array<i32>} : memref<64x128xf32, #tpu.memory_space<vmem>>, vector<16xf32>,
        %get3A_191 = arith.index_cast %scan3A_174 : i32 to index
        %get3A_192 = arith.constant 16 : index
        %get3A_193 = tpu.vector_load %arg13[%get3A_191, %get3A_192] {strides = array<i32>} : memref<64x128xf32, #tpu.memory_space<vmem>>, vector<16xf32>,
        %get3A_194 = arith.index_cast %scan3A_174 : i32 to index
        %get3A_195 = arith.constant 16 : index
        %get3A_196 = tpu.vector_load %arg14[%get3A_194, %get3A_195] {strides = array<i32>} : memref<64x128xf32, #tpu.memory_space<vmem>>, vector<16xf32>,
        %add3A_197 = arith.addf %get3A_193, %get3A_196 : vector<16xf32>
        %get3A_198 = arith.index_cast %scan3A_174 : i32 to index
        %get3A_199 = arith.constant 16 : index
        %get3A_200 = tpu.vector_load %arg15[%get3A_198, %get3A_199] {strides = array<i32>} : memref<64x128xf32, #tpu.memory_space<vmem>>, vector<16xf32>,
        %add3A_201 = arith.addf %add3A_197, %get3A_200 : vector<16xf32>
        %max3A_202 = arith.constant 0.000000e+00 : f32
        %max3A_203 = vector.broadcast %max3A_202 : f32 to vector<16xf32>
        %max3A_204 = arith.maximumf %add3A_201, %max3A_203 : vector<16xf32>
        %swap3A_205 = arith.index_cast %scan3A_174 : i32 to index
        %swap3A_206 = arith.constant 16 : index
        %swap3A_207 = tpu.vector_load %arg16[%swap3A_205, %swap3A_206] {strides = array<i32>} : memref<64x128xf32, #tpu.memory_space<vmem>>, vector<16xf32>,
        tpu.vector_store %arg16[%swap3A_205, %swap3A_206], %max3A_204 {strides = array<i32>} : memref<64x128xf32, #tpu.memory_space<vmem>>, vector<16xf32>,
        %get3A_208 = arith.index_cast %scan3A_174 : i32 to index
        %get3A_209 = arith.constant 32 : index
        %get3A_210 = tpu.vector_load %arg13[%get3A_208, %get3A_209] {strides = array<i32>} : memref<64x128xf32, #tpu.memory_space<vmem>>, vector<16xf32>,
        %get3A_211 = arith.index_cast %scan3A_174 : i32 to index
        %get3A_212 = arith.constant 32 : index
        %get3A_213 = tpu.vector_load %arg14[%get3A_211, %get3A_212] {strides = array<i32>} : memref<64x128xf32, #tpu.memory_space<vmem>>, vector<16xf32>,
        %add3A_214 = arith.addf %get3A_210, %get3A_213 : vector<16xf32>
        %get3A_215 = arith.index_cast %scan3A_174 : i32 to index
        %get3A_216 = arith.constant 32 : index
        %get3A_217 = tpu.vector_load %arg15[%get3A_215, %get3A_216] {strides = array<i32>} : memref<64x128xf32, #tpu.memory_space<vmem>>, vector<16xf32>,
        %add3A_218 = arith.addf %add3A_214, %get3A_217 : vector<16xf32>
        %max3A_219 = arith.constant 0.000000e+00 : f32
        %max3A_220 = vector.broadcast %max3A_219 : f32 to vector<16xf32>
        %max3A_221 = arith.maximumf %add3A_218, %max3A_220 : vector<16xf32>
        %swap3A_222 = arith.index_cast %scan3A_174 : i32 to index
        %swap3A_223 = arith.constant 32 : index
        %swap3A_224 = tpu.vector_load %arg16[%swap3A_222, %swap3A_223] {strides = array<i32>} : memref<64x128xf32, #tpu.memory_space<vmem>>, vector<16xf32>,
        tpu.vector_store %arg16[%swap3A_222, %swap3A_223], %max3A_221 {strides = array<i32>} : memref<64x128xf32, #tpu.memory_space<vmem>>, vector<16xf32>,
        %get3A_225 = arith.index_cast %scan3A_174 : i32 to index
        %get3A_226 = arith.constant 48 : index
        %get3A_227 = tpu.vector_load %arg13[%get3A_225, %get3A_226] {strides = array<i32>} : memref<64x128xf32, #tpu.memory_space<vmem>>, vector<16xf32>,
        %get3A_228 = arith.index_cast %scan3A_174 : i32 to index
        %get3A_229 = arith.constant 48 : index
        %get3A_230 = tpu.vector_load %arg14[%get3A_228, %get3A_229] {strides = array<i32>} : memref<64x128xf32, #tpu.memory_space<vmem>>, vector<16xf32>,
        %add3A_231 = arith.addf %get3A_227, %get3A_230 : vector<16xf32>
        %get3A_232 = arith.index_cast %scan3A_174 : i32 to index
        %get3A_233 = arith.constant 48 : index
        %get3A_234 = tpu.vector_load %arg15[%get3A_232, %get3A_233] {strides = array<i32>} : memref<64x128xf32, #tpu.memory_space<vmem>>, vector<16xf32>,
        %add3A_235 = arith.addf %add3A_231, %get3A_234 : vector<16xf32>
        %max3A_236 = arith.constant 0.000000e+00 : f32
        %max3A_237 = vector.broadcast %max3A_236 : f32 to vector<16xf32>
        %max3A_238 = arith.maximumf %add3A_235, %max3A_237 : vector<16xf32>
        %swap3A_239 = arith.index_cast %scan3A_174 : i32 to index
        %swap3A_240 = arith.constant 48 : index
        %swap3A_241 = tpu.vector_load %arg16[%swap3A_239, %swap3A_240] {strides = array<i32>} : memref<64x128xf32, #tpu.memory_space<vmem>>, vector<16xf32>,
        tpu.vector_store %arg16[%swap3A_239, %swap3A_240], %max3A_238 {strides = array<i32>} : memref<64x128xf32, #tpu.memory_space<vmem>>, vector<16xf32>,
        %get3A_242 = arith.index_cast %scan3A_174 : i32 to index
        %get3A_243 = arith.constant 64 : index
        %get3A_244 = tpu.vector_load %arg13[%get3A_242, %get3A_243] {strides = array<i32>} : memref<64x128xf32, #tpu.memory_space<vmem>>, vector<16xf32>,
        %get3A_245 = arith.index_cast %scan3A_174 : i32 to index
        %get3A_246 = arith.constant 64 : index
        %get3A_247 = tpu.vector_load %arg14[%get3A_245, %get3A_246] {strides = array<i32>} : memref<64x128xf32, #tpu.memory_space<vmem>>, vector<16xf32>,
        %add3A_248 = arith.addf %get3A_244, %get3A_247 : vector<16xf32>
        %get3A_249 = arith.index_cast %scan3A_174 : i32 to index
        %get3A_250 = arith.constant 64 : index
        %get3A_251 = tpu.vector_load %arg15[%get3A_249, %get3A_250] {strides = array<i32>} : memref<64x128xf32, #tpu.memory_space<vmem>>, vector<16xf32>,
        %add3A_252 = arith.addf %add3A_248, %get3A_251 : vector<16xf32>
        %max3A_253 = arith.constant 0.000000e+00 : f32
        %max3A_254 = vector.broadcast %max3A_253 : f32 to vector<16xf32>
        %max3A_255 = arith.maximumf %add3A_252, %max3A_254 : vector<16xf32>
        %swap3A_256 = arith.index_cast %scan3A_174 : i32 to index
        %swap3A_257 = arith.constant 64 : index
        %swap3A_258 = tpu.vector_load %arg16[%swap3A_256, %swap3A_257] {strides = array<i32>} : memref<64x128xf32, #tpu.memory_space<vmem>>, vector<16xf32>,
        tpu.vector_store %arg16[%swap3A_256, %swap3A_257], %max3A_255 {strides = array<i32>} : memref<64x128xf32, #tpu.memory_space<vmem>>, vector<16xf32>,
        %get3A_259 = arith.index_cast %scan3A_174 : i32 to index
        %get3A_260 = arith.constant 80 : index
        %get3A_261 = tpu.vector_load %arg13[%get3A_259, %get3A_260] {strides = array<i32>} : memref<64x128xf32, #tpu.memory_space<vmem>>, vector<16xf32>,
        %get3A_262 = arith.index_cast %scan3A_174 : i32 to index
        %get3A_263 = arith.constant 80 : index
        %get3A_264 = tpu.vector_load %arg14[%get3A_262, %get3A_263] {strides = array<i32>} : memref<64x128xf32, #tpu.memory_space<vmem>>, vector<16xf32>,
        %add3A_265 = arith.addf %get3A_261, %get3A_264 : vector<16xf32>
        %get3A_266 = arith.index_cast %scan3A_174 : i32 to index
        %get3A_267 = arith.constant 80 : index
        %get3A_268 = tpu.vector_load %arg15[%get3A_266, %get3A_267] {strides = array<i32>} : memref<64x128xf32, #tpu.memory_space<vmem>>, vector<16xf32>,
        %add3A_269 = arith.addf %add3A_265, %get3A_268 : vector<16xf32>
        %max3A_270 = arith.constant 0.000000e+00 : f32
        %max3A_271 = vector.broadcast %max3A_270 : f32 to vector<16xf32>
        %max3A_272 = arith.maximumf %add3A_269, %max3A_271 : vector<16xf32>
        %swap3A_273 = arith.index_cast %scan3A_174 : i32 to index
        %swap3A_274 = arith.constant 80 : index
        %swap3A_275 = tpu.vector_load %arg16[%swap3A_273, %swap3A_274] {strides = array<i32>} : memref<64x128xf32, #tpu.memory_space<vmem>>, vector<16xf32>,
        tpu.vector_store %arg16[%swap3A_273, %swap3A_274], %max3A_272 {strides = array<i32>} : memref<64x128xf32, #tpu.memory_space<vmem>>, vector<16xf32>,
        %get3A_276 = arith.index_cast %scan3A_174 : i32 to index
        %get3A_277 = arith.constant 96 : index
        %get3A_278 = tpu.vector_load %arg13[%get3A_276, %get3A_277] {strides = array<i32>} : memref<64x128xf32, #tpu.memory_space<vmem>>, vector<16xf32>,
        %get3A_279 = arith.index_cast %scan3A_174 : i32 to index
        %get3A_280 = arith.constant 96 : index
        %get3A_281 = tpu.vector_load %arg14[%get3A_279, %get3A_280] {strides = array<i32>} : memref<64x128xf32, #tpu.memory_space<vmem>>, vector<16xf32>,
        %add3A_282 = arith.addf %get3A_278, %get3A_281 : vector<16xf32>
        %get3A_283 = arith.index_cast %scan3A_174 : i32 to index
        %get3A_284 = arith.constant 96 : index
        %get3A_285 = tpu.vector_load %arg15[%get3A_283, %get3A_284] {strides = array<i32>} : memref<64x128xf32, #tpu.memory_space<vmem>>, vector<16xf32>,
        %add3A_286 = arith.addf %add3A_282, %get3A_285 : vector<16xf32>
        %max3A_287 = arith.constant 0.000000e+00 : f32
        %max3A_288 = vector.broadcast %max3A_287 : f32 to vector<16xf32>
        %max3A_289 = arith.maximumf %add3A_286, %max3A_288 : vector<16xf32>
        %swap3A_290 = arith.index_cast %scan3A_174 : i32 to index
        %swap3A_291 = arith.constant 96 : index
        %swap3A_292 = tpu.vector_load %arg16[%swap3A_290, %swap3A_291] {strides = array<i32>} : memref<64x128xf32, #tpu.memory_space<vmem>>, vector<16xf32>,
        tpu.vector_store %arg16[%swap3A_290, %swap3A_291], %max3A_289 {strides = array<i32>} : memref<64x128xf32, #tpu.memory_space<vmem>>, vector<16xf32>,
        %get3A_293 = arith.index_cast %scan3A_174 : i32 to index
        %get3A_294 = arith.constant 112 : index
        %get3A_295 = tpu.vector_load %arg13[%get3A_293, %get3A_294] {strides = array<i32>} : memref<64x128xf32, #tpu.memory_space<vmem>>, vector<16xf32>,
        %get3A_296 = arith.index_cast %scan3A_174 : i32 to index
        %get3A_297 = arith.constant 112 : index
        %get3A_298 = tpu.vector_load %arg14[%get3A_296, %get3A_297] {strides = array<i32>} : memref<64x128xf32, #tpu.memory_space<vmem>>, vector<16xf32>,
        %add3A_299 = arith.addf %get3A_295, %get3A_298 : vector<16xf32>
        %get3A_300 = arith.index_cast %scan3A_174 : i32 to index
        %get3A_301 = arith.constant 112 : index
        %get3A_302 = tpu.vector_load %arg15[%get3A_300, %get3A_301] {strides = array<i32>} : memref<64x128xf32, #tpu.memory_space<vmem>>, vector<16xf32>,
        %add3A_303 = arith.addf %add3A_299, %get3A_302 : vector<16xf32>
        %max3A_304 = arith.constant 0.000000e+00 : f32
        %max3A_305 = vector.broadcast %max3A_304 : f32 to vector<16xf32>
        %max3A_306 = arith.maximumf %add3A_303, %max3A_305 : vector<16xf32>
        %swap3A_307 = arith.index_cast %scan3A_174 : i32 to index
        %swap3A_308 = arith.constant 112 : index
        %swap3A_309 = tpu.vector_load %arg16[%swap3A_307, %swap3A_308] {strides = array<i32>} : memref<64x128xf32, #tpu.memory_space<vmem>>, vector<16xf32>,
        tpu.vector_store %arg16[%swap3A_307, %swap3A_308], %max3A_306 {strides = array<i32>} : memref<64x128xf32, #tpu.memory_space<vmem>>, vector<16xf32>,
      }
      %scan3A_166 = arith.constant 64 : i32
      %dma_start3A_167 = arith.constant 0 : i32
      %dma_start3A_168 = arith.constant 0 : i32
      %dma_start3A_169 = tpu.memref_slice %arg9[%dma_start3A_167, %dma_start3A_168] : memref<10000x128xf32, #tpu.memory_space<vmem_shared>> -> memref<10000x128xf32, #tpu.memory_space<vmem_shared>>
      tpu.enqueue_indirect_dma source(%arg16 : memref<64x128xf32, #tpu.memory_space<vmem>>) target(%dma_start3A_169 : memref<10000x128xf32, #tpu.memory_space<vmem_shared>>) offsets(%arg12 : memref<64xi32, #tpu.memory_space<vmem>>) semaphore(%arg21 : memref<!tpu.dma_semaphore, #tpu.memory_space<semaphore_mem>>) {add = true}
      %dma_wait3A_170 = tpu.memref_slice %arg5[%add3A_80] : memref<323648xi32, #tpu.memory_space<hbm>> -> memref<64xi32, #tpu.memory_space<hbm>>
      %dma_wait3A_171 = tpu.memref_slice %arg5[%add3A_80] : memref<323648xi32, #tpu.memory_space<hbm>> -> memref<64xi32, #tpu.memory_space<hbm>>
      tpu.wait_dma2 semaphore(%arg22 : memref<!tpu.dma_semaphore, #tpu.memory_space<semaphore_mem>>) src(%dma_wait3A_171 : memref<64xi32, #tpu.memory_space<hbm>>) dst(%arg10 : memref<64xi32, #tpu.memory_space<vmem>>)
      %dma_wait3A_172 = tpu.memref_slice %arg6[%add3A_80] : memref<323648xi32, #tpu.memory_space<hbm>> -> memref<64xi32, #tpu.memory_space<hbm>>
      %dma_wait3A_173 = tpu.memref_slice %arg6[%add3A_80] : memref<323648xi32, #tpu.memory_space<hbm>> -> memref<64xi32, #tpu.memory_space<hbm>>
      tpu.wait_dma2 semaphore(%arg22 : memref<!tpu.dma_semaphore, #tpu.memory_space<semaphore_mem>>) src(%dma_wait3A_173 : memref<64xi32, #tpu.memory_space<hbm>>) dst(%arg11 : memref<64xi32, #tpu.memory_space<vmem>>)
    }
    %scan3A_67 = arith.constant 158 : i32
    %dma_wait3A_68 = arith.constant 0 : i32
    %dma_wait3A_69 = arith.constant 0 : i32
    %dma_wait3A_70 = tpu.memref_slice %arg9[%dma_wait3A_68, %dma_wait3A_69] : memref<10000x128xf32, #tpu.memory_space<vmem_shared>> -> memref<10000x128xf32, #tpu.memory_space<vmem_shared>>
    tpu.wait_indirect_dma semaphore(%arg21 : memref<!tpu.dma_semaphore, #tpu.memory_space<semaphore_mem>>) src(%arg16 : memref<64x128xf32, #tpu.memory_space<vmem>>) dst(%dma_wait3A_70 : memref<10000x128xf32, #tpu.memory_space<vmem_shared>>)
    %run_scoped3A = arith.constant 0 : i32
    "tpu.region"() ({
      %run_scoped3A_77 = tpu.sem_alloc : memref<!tpu.dma_semaphore, #tpu.memory_space<semaphore_mem>>
      %dma_start3A_78 = arith.constant 0 : i32
      %dma_start3A_79 = tpu.memref_slice %arg8[%add3A, %run_scoped3A, %dma_start3A_78] : memref<32x1x10000xf32, #tpu.memory_space<hbm>> -> memref<1x1x10000xf32, #tpu.memory_space<hbm>>
      %dma_start3A_80 = tpu.memref_squeeze %dma_start3A_79 : memref<1x1x10000xf32, #tpu.memory_space<hbm>> -> memref<10000xf32, #tpu.memory_space<hbm>>
      %dma_start3A_81 = arith.constant 0 : i32
      %dma_start3A_82 = tpu.memref_slice %arg8[%add3A, %run_scoped3A, %dma_start3A_81] : memref<32x1x10000xf32, #tpu.memory_space<hbm>> -> memref<1x1x10000xf32, #tpu.memory_space<hbm>>
      %dma_start3A_83 = tpu.memref_squeeze %dma_start3A_82 : memref<1x1x10000xf32, #tpu.memory_space<hbm>> -> memref<10000xf32, #tpu.memory_space<hbm>>
      tpu.enqueue_dma source(%arg17 : memref<10000xf32, #tpu.memory_space<vmem>>) target(%dma_start3A_83 : memref<10000xf32, #tpu.memory_space<hbm>>) target_semaphore(%run_scoped3A_77 : memref<!tpu.dma_semaphore, #tpu.memory_space<semaphore_mem>>)
      %dma_wait3A_84 = arith.constant 0 : i32
      %dma_wait3A_85 = tpu.memref_slice %arg8[%add3A, %run_scoped3A, %dma_wait3A_84] : memref<32x1x10000xf32, #tpu.memory_space<hbm>> -> memref<1x1x10000xf32, #tpu.memory_space<hbm>>
      %dma_wait3A_86 = tpu.memref_squeeze %dma_wait3A_85 : memref<1x1x10000xf32, #tpu.memory_space<hbm>> -> memref<10000xf32, #tpu.memory_space<hbm>>
      %dma_wait3A_87 = arith.constant 0 : i32
      %dma_wait3A_88 = tpu.memref_slice %arg8[%add3A, %run_scoped3A, %dma_wait3A_87] : memref<32x1x10000xf32, #tpu.memory_space<hbm>> -> memref<1x1x10000xf32, #tpu.memory_space<hbm>>
      %dma_wait3A_89 = tpu.memref_squeeze %dma_wait3A_88 : memref<1x1x10000xf32, #tpu.memory_space<hbm>> -> memref<10000xf32, #tpu.memory_space<hbm>>
      tpu.wait_dma2 semaphore(%run_scoped3A_77 : memref<!tpu.dma_semaphore, #tpu.memory_space<semaphore_mem>>) src(%arg17 : memref<10000xf32, #tpu.memory_space<vmem>>) dst(%dma_wait3A_89 : memref<10000xf32, #tpu.memory_space<hbm>>)
      tpu.yield
    }) : () -> ()
    %barrier3A_71 = arith.constant 0 : index
    tpu.barrier barrier_id(%barrier3A_71)
    "tpu.region"() ({
      %run_scoped3A_77 = tpu.sem_alloc : memref<!tpu.dma_semaphore, #tpu.memory_space<semaphore_mem>>
      %dma_start3A_78 = arith.constant 0 : i32
      %dma_start3A_79 = tpu.memref_slice %arg7[%arg0, %multiple_of3A, %dma_start3A_78] : memref<2x10000x128xf32, #tpu.memory_space<hbm>> -> memref<1x624x128xf32, #tpu.memory_space<hbm>>
      %dma_start3A_80 = tpu.memref_squeeze %dma_start3A_79 : memref<1x624x128xf32, #tpu.memory_space<hbm>> -> memref<624x128xf32, #tpu.memory_space<hbm>>
      %dma_start3A_81 = arith.constant 0 : i32
      %dma_start3A_82 = tpu.memref_slice %arg9[%multiple_of3A, %dma_start3A_81] : memref<10000x128xf32, #tpu.memory_space<vmem_shared>> -> memref<624x128xf32, #tpu.memory_space<vmem_shared>>
      tpu.enqueue_dma source(%dma_start3A_82 : memref<624x128xf32, #tpu.memory_space<vmem_shared>>) target(%dma_start3A_80 : memref<624x128xf32, #tpu.memory_space<hbm>>) target_semaphore(%run_scoped3A_77 : memref<!tpu.dma_semaphore, #tpu.memory_space<semaphore_mem>>)
      %dma_wait3A_83 = arith.constant 0 : i32
      %dma_wait3A_84 = tpu.memref_slice %arg7[%arg0, %multiple_of3A, %dma_wait3A_83] : memref<2x10000x128xf32, #tpu.memory_space<hbm>> -> memref<1x624x128xf32, #tpu.memory_space<hbm>>
      %dma_wait3A_85 = tpu.memref_squeeze %dma_wait3A_84 : memref<1x624x128xf32, #tpu.memory_space<hbm>> -> memref<624x128xf32, #tpu.memory_space<hbm>>
      %dma_wait3A_86 = arith.constant 0 : i32
      %dma_wait3A_87 = tpu.memref_slice %arg9[%multiple_of3A, %dma_wait3A_86] : memref<10000x128xf32, #tpu.memory_space<vmem_shared>> -> memref<624x128xf32, #tpu.memory_space<vmem_shared>>
      tpu.wait_dma2 semaphore(%run_scoped3A_77 : memref<!tpu.dma_semaphore, #tpu.memory_space<semaphore_mem>>) src(%dma_wait3A_87 : memref<624x128xf32, #tpu.memory_space<vmem_shared>>) dst(%dma_wait3A_85 : memref<624x128xf32, #tpu.memory_space<hbm>>)
      tpu.yield
    }) : () -> ()
    %eq3A_72 = arith.constant 15 : i32
    %eq3A_73 = arith.cmpi eq, %arg1, %eq3A_72 : i32
    %convert_element_type3A_74 = arith.extui %eq3A_73 : i1 to i32
    %cond3A_75 = arith.constant 0 : i32
    %cond3A_76 = arith.cmpi ne, %convert_element_type3A_74, %cond3A_75 : i32
    scf.if %cond3A_76 {
      "tpu.region"() ({
        %run_scoped3A_77 = tpu.sem_alloc : memref<!tpu.dma_semaphore, #tpu.memory_space<semaphore_mem>>
        %dma_start3A_78 = arith.constant 9984 : i32
        %dma_start3A_79 = arith.constant 0 : i32
        %dma_start3A_80 = tpu.memref_slice %arg7[%arg0, %dma_start3A_78, %dma_start3A_79] : memref<2x10000x128xf32, #tpu.memory_space<hbm>> -> memref<1x16x128xf32, #tpu.memory_space<hbm>>
        %dma_start3A_81 = tpu.memref_squeeze %dma_start3A_80 : memref<1x16x128xf32, #tpu.memory_space<hbm>> -> memref<16x128xf32, #tpu.memory_space<hbm>>
        %dma_start3A_82 = arith.constant 9984 : i32
        %dma_start3A_83 = arith.constant 0 : i32
        %dma_start3A_84 = tpu.memref_slice %arg9[%dma_start3A_82, %dma_start3A_83] : memref<10000x128xf32, #tpu.memory_space<vmem_shared>> -> memref<16x128xf32, #tpu.memory_space<vmem_shared>>
        tpu.enqueue_dma source(%dma_start3A_84 : memref<16x128xf32, #tpu.memory_space<vmem_shared>>) target(%dma_start3A_81 : memref<16x128xf32, #tpu.memory_space<hbm>>) target_semaphore(%run_scoped3A_77 : memref<!tpu.dma_semaphore, #tpu.memory_space<semaphore_mem>>)
        %dma_wait3A_85 = arith.constant 9984 : i32
        %dma_wait3A_86 = arith.constant 0 : i32
        %dma_wait3A_87 = tpu.memref_slice %arg7[%arg0, %dma_wait3A_85, %dma_wait3A_86] : memref<2x10000x128xf32, #tpu.memory_space<hbm>> -> memref<1x16x128xf32, #tpu.memory_space<hbm>>
        %dma_wait3A_88 = tpu.memref_squeeze %dma_wait3A_87 : memref<1x16x128xf32, #tpu.memory_space<hbm>> -> memref<16x128xf32, #tpu.memory_space<hbm>>
        %dma_wait3A_89 = arith.constant 9984 : i32
        %dma_wait3A_90 = arith.constant 0 : i32
        %dma_wait3A_91 = tpu.memref_slice %arg9[%dma_wait3A_89, %dma_wait3A_90] : memref<10000x128xf32, #tpu.memory_space<vmem_shared>> -> memref<16x128xf32, #tpu.memory_space<vmem_shared>>
        tpu.wait_dma2 semaphore(%run_scoped3A_77 : memref<!tpu.dma_semaphore, #tpu.memory_space<semaphore_mem>>) src(%dma_wait3A_91 : memref<16x128xf32, #tpu.memory_space<vmem_shared>>) dst(%dma_wait3A_88 : memref<16x128xf32, #tpu.memory_space<hbm>>)
        tpu.yield
      }) : () -> ()
    } else {
    }
    return
  }
}

module attributes {stable_mosaic.version = 14 : i64} {
  func.func @_ab_body(%arg0: i32, %arg1: memref<1000x128xf32, #tpu.memory_space<vmem>>, %arg2: memref<128x128xf32, #tpu.memory_space<vmem>>, %arg3: memref<128x128xf32, #tpu.memory_space<vmem>>, %arg4: memref<1000x128xf32, #tpu.memory_space<vmem>>, %arg5: memref<1000x128xf32, #tpu.memory_space<vmem>>) attributes {dimension_semantics = [#tpu.dimension_semantics<arbitrary>], iteration_bounds = array<i64: 10>, scalar_prefetch = 0 : i64, scratch_operands = 0 : i64, tpu.core_type = #tpu.core_type<tc>, window_params = [{transform_indices = @transform_0, window_bounds = array<i64: 1000, 128>}, {pipeline_mode = #tpu.pipeline_mode<synchronous>, transform_indices = @transform_1, window_bounds = array<i64: 128, 128>}, {pipeline_mode = #tpu.pipeline_mode<synchronous>, transform_indices = @transform_2, window_bounds = array<i64: 128, 128>}, {transform_indices = @transform_3, window_bounds = array<i64: 1000, 128>}, {transform_indices = @transform_4, window_bounds = array<i64: 1000, 128>}]} {
    %get3A = arith.constant 0 : index
    %get3A_0 = arith.constant 0 : index
    %get3A_1 = vector.load %arg1[%get3A, %get3A_0] : memref<1000x128xf32, #tpu.memory_space<vmem>>, vector<1000x128xf32>
    %get3A_2 = arith.constant 0 : index
    %get3A_3 = arith.constant 0 : index
    %get3A_4 = vector.load %arg2[%get3A_2, %get3A_3] : memref<128x128xf32, #tpu.memory_space<vmem>>, vector<128x128xf32>
    %dot_general3A = arith.constant dense<0.000000e+00> : vector<1000x128xf32>
    %dot_general3A_5 = tpu.matmul %get3A_1, %get3A_4, %dot_general3A {dimension_numbers = #tpu.dot_dimension_numbers<[1], [0], [0], [1], [0, 0, 1, 1], [], []>, transpose_lhs_hint = false} : vector<1000x128xf32>, vector<128x128xf32>, vector<1000x128xf32> -> vector<1000x128xf32>
    %swap3A = arith.constant 0 : index
    %swap3A_6 = arith.constant 0 : index
    %swap3A_7 = vector.load %arg4[%swap3A, %swap3A_6] : memref<1000x128xf32, #tpu.memory_space<vmem>>, vector<1000x128xf32>
    tpu.vector_store %arg4[%swap3A, %swap3A_6], %dot_general3A_5 {strides = array<i32>} : memref<1000x128xf32, #tpu.memory_space<vmem>>, vector<1000x128xf32>,
    %get3A_8 = arith.constant 0 : index
    %get3A_9 = arith.constant 0 : index
    %get3A_10 = vector.load %arg3[%get3A_8, %get3A_9] : memref<128x128xf32, #tpu.memory_space<vmem>>, vector<128x128xf32>
    %dot_general3A_11 = arith.constant dense<0.000000e+00> : vector<1000x128xf32>
    %dot_general3A_12 = tpu.matmul %get3A_1, %get3A_10, %dot_general3A_11 {dimension_numbers = #tpu.dot_dimension_numbers<[1], [0], [0], [1], [0, 0, 1, 1], [], []>, transpose_lhs_hint = false} : vector<1000x128xf32>, vector<128x128xf32>, vector<1000x128xf32> -> vector<1000x128xf32>
    %swap3A_13 = arith.constant 0 : index
    %swap3A_14 = arith.constant 0 : index
    %swap3A_15 = vector.load %arg5[%swap3A_13, %swap3A_14] : memref<1000x128xf32, #tpu.memory_space<vmem>>, vector<1000x128xf32>
    tpu.vector_store %arg5[%swap3A_13, %swap3A_14], %dot_general3A_12 {strides = array<i32>} : memref<1000x128xf32, #tpu.memory_space<vmem>>, vector<1000x128xf32>,
    return
  }
  func.func @transform_0(%arg0: i32) -> (i32, i32) {
    %c0_i32 = arith.constant 0 : i32
    %c0_i32_0 = arith.constant 0 : i32
    return %arg0, %c0_i32 : i32, i32
  }
  func.func @transform_1(%arg0: i32) -> (i32, i32) {
    %c0_i32 = arith.constant 0 : i32
    %c0_i32_0 = arith.constant 0 : i32
    %c0_i32_1 = arith.constant 0 : i32
    return %c0_i32, %c0_i32_0 : i32, i32
  }
  func.func @transform_2(%arg0: i32) -> (i32, i32) {
    %c0_i32 = arith.constant 0 : i32
    %c0_i32_0 = arith.constant 0 : i32
    %c0_i32_1 = arith.constant 0 : i32
    return %c0_i32, %c0_i32_0 : i32, i32
  }
  func.func @transform_3(%arg0: i32) -> (i32, i32) {
    %c0_i32 = arith.constant 0 : i32
    %c0_i32_0 = arith.constant 0 : i32
    return %arg0, %c0_i32 : i32, i32
  }
  func.func @transform_4(%arg0: i32) -> (i32, i32) {
    %c0_i32 = arith.constant 0 : i32
    %c0_i32_0 = arith.constant 0 : i32
    return %arg0, %c0_i32 : i32, i32
  }
}

module attributes {stable_mosaic.version = 14 : i64} {
  func.func @_ce_body(%arg0: i32, %arg1: memref<2048x16xf32, #tpu.memory_space<vmem>>, %arg2: memref<16x128xf32, #tpu.memory_space<vmem>>, %arg3: memref<1x128xf32, #tpu.memory_space<vmem>>, %arg4: memref<2048x128xf32, #tpu.memory_space<vmem>>) attributes {dimension_semantics = [#tpu.dimension_semantics<arbitrary>], iteration_bounds = array<i64: 158>, scalar_prefetch = 0 : i64, scratch_operands = 0 : i64, tpu.core_type = #tpu.core_type<tc>, window_params = [{transform_indices = @transform_0, window_bounds = array<i64: 2048, 16>}, {pipeline_mode = #tpu.pipeline_mode<synchronous>, transform_indices = @transform_1, window_bounds = array<i64: 16, 128>}, {pipeline_mode = #tpu.pipeline_mode<synchronous>, transform_indices = @transform_2, window_bounds = array<i64: 1, 128>}, {transform_indices = @transform_3, window_bounds = array<i64: 2048, 128>}]} {
    %iota3A = tpu.iota {dimensions = array<i32: 0>} : vector<2048x128xi32>
    %mul3A = arith.constant 2048 : i32
    %mul3A_0 = arith.muli %arg0, %mul3A : i32
    %add3A = vector.broadcast %mul3A_0 : i32 to vector<2048x128xi32>
    %add3A_1 = arith.addi %iota3A, %add3A : vector<2048x128xi32>
    %get3A = arith.constant 0 : index
    %get3A_2 = arith.constant 0 : index
    %get3A_3 = vector.load %arg1[%get3A, %get3A_2] : memref<2048x16xf32, #tpu.memory_space<vmem>>, vector<2048x16xf32>
    %get3A_4 = arith.constant 0 : index
    %get3A_5 = arith.constant 0 : index
    %get3A_6 = vector.load %arg2[%get3A_4, %get3A_5] : memref<16x128xf32, #tpu.memory_space<vmem>>, vector<16x128xf32>
    %dot_general3A = arith.constant dense<0.000000e+00> : vector<2048x128xf32>
    %dot_general3A_7 = tpu.matmul %get3A_3, %get3A_6, %dot_general3A {dimension_numbers = #tpu.dot_dimension_numbers<[1], [0], [0], [1], [0, 0, 1, 1], [], []>, transpose_lhs_hint = false} : vector<2048x16xf32>, vector<16x128xf32>, vector<2048x128xf32> -> vector<2048x128xf32>
    %get3A_8 = arith.constant 0 : index
    %get3A_9 = arith.constant 0 : index
    %get3A_10 = vector.load %arg3[%get3A_8, %get3A_9] : memref<1x128xf32, #tpu.memory_space<vmem>>, vector<1x128xf32>
    %add3A_11 = vector.broadcast %get3A_10 : vector<1x128xf32> to vector<2048x128xf32>
    %add3A_12 = arith.addf %dot_general3A_7, %add3A_11 : vector<2048x128xf32>
    %lt3A = arith.constant 320000 : i32
    %lt3A_13 = vector.broadcast %lt3A : i32 to vector<2048x128xi32>
    %lt3A_14 = arith.cmpi slt, %add3A_1, %lt3A_13 : vector<2048x128xi32>
    %jit3A = arith.constant -1.000000e+09 : f32
    %broadcast_in_dim3A = vector.broadcast %jit3A : f32 to vector<2048x128xf32>
    %select_n3A = arith.select %lt3A_14, %add3A_12, %broadcast_in_dim3A : vector<2048x128xi1>, vector<2048x128xf32>
    %swap3A = arith.constant 0 : index
    %swap3A_15 = arith.constant 0 : index
    %swap3A_16 = vector.load %arg4[%swap3A, %swap3A_15] : memref<2048x128xf32, #tpu.memory_space<vmem>>, vector<2048x128xf32>
    tpu.vector_store %arg4[%swap3A, %swap3A_15], %select_n3A {strides = array<i32>} : memref<2048x128xf32, #tpu.memory_space<vmem>>, vector<2048x128xf32>,
    return
  }
  func.func @transform_0(%arg0: i32) -> (i32, i32) {
    %c0_i32 = arith.constant 0 : i32
    %c0_i32_0 = arith.constant 0 : i32
    return %arg0, %c0_i32 : i32, i32
  }
  func.func @transform_1(%arg0: i32) -> (i32, i32) {
    %c0_i32 = arith.constant 0 : i32
    %c0_i32_0 = arith.constant 0 : i32
    %c0_i32_1 = arith.constant 0 : i32
    return %c0_i32, %c0_i32_0 : i32, i32
  }
  func.func @transform_2(%arg0: i32) -> (i32, i32) {
    %c0_i32 = arith.constant 0 : i32
    %c0_i32_0 = arith.constant 0 : i32
    %c0_i32_1 = arith.constant 0 : i32
    return %c0_i32, %c0_i32_0 : i32, i32
  }
  func.func @transform_3(%arg0: i32) -> (i32, i32) {
    %c0_i32 = arith.constant 0 : i32
    %c0_i32_0 = arith.constant 0 : i32
    return %arg0, %c0_i32 : i32, i32
  }
}

module attributes {stable_mosaic.version = 14 : i64} {
  func.func @_deg_body(%arg0: i32, %arg1: memref<1x32xf32, #tpu.memory_space<vmem>>, %arg2: memref<32x10000xf32, #tpu.memory_space<vmem>>, %arg3: memref<1x10000xf32, #tpu.memory_space<vmem>>) attributes {dimension_semantics = [#tpu.dimension_semantics<arbitrary>], iteration_bounds = array<i64: 1>, scalar_prefetch = 0 : i64, scratch_operands = 0 : i64, tpu.core_type = #tpu.core_type<tc>, window_params = [{pipeline_mode = #tpu.pipeline_mode<synchronous>, transform_indices = @transform_0, window_bounds = array<i64: 1, 32>}, {pipeline_mode = #tpu.pipeline_mode<synchronous>, transform_indices = @transform_1, window_bounds = array<i64: 32, 10000>}, {pipeline_mode = #tpu.pipeline_mode<synchronous>, transform_indices = @transform_2, window_bounds = array<i64: 1, 10000>}]} {
    %get3A = arith.constant 0 : index
    %get3A_0 = arith.constant 0 : index
    %get3A_1 = vector.load %arg1[%get3A, %get3A_0] : memref<1x32xf32, #tpu.memory_space<vmem>>, vector<1x32xf32>
    %get3A_2 = arith.constant 0 : index
    %get3A_3 = arith.constant 0 : index
    %get3A_4 = vector.load %arg2[%get3A_2, %get3A_3] : memref<32x10000xf32, #tpu.memory_space<vmem>>, vector<32x10000xf32>
    %dot_general3A = arith.constant dense<0.000000e+00> : vector<1x10000xf32>
    %dot_general3A_5 = tpu.matmul %get3A_1, %get3A_4, %dot_general3A {dimension_numbers = #tpu.dot_dimension_numbers<[1], [0], [0], [1], [0, 0, 1, 1], [], []>, transpose_lhs_hint = false} : vector<1x32xf32>, vector<32x10000xf32>, vector<1x10000xf32> -> vector<1x10000xf32>
    %swap3A = arith.constant 0 : index
    %swap3A_6 = arith.constant 0 : index
    %swap3A_7 = vector.load %arg3[%swap3A, %swap3A_6] : memref<1x10000xf32, #tpu.memory_space<vmem>>, vector<1x10000xf32>
    tpu.vector_store %arg3[%swap3A, %swap3A_6], %dot_general3A_5 {strides = array<i32>} : memref<1x10000xf32, #tpu.memory_space<vmem>>, vector<1x10000xf32>,
    return
  }
  func.func @transform_0(%arg0: i32) -> (i32, i32) {
    %c0_i32 = arith.constant 0 : i32
    %c0_i32_0 = arith.constant 0 : i32
    %c0_i32_1 = arith.constant 0 : i32
    return %c0_i32, %c0_i32_0 : i32, i32
  }
  func.func @transform_1(%arg0: i32) -> (i32, i32) {
    %c0_i32 = arith.constant 0 : i32
    %c0_i32_0 = arith.constant 0 : i32
    %c0_i32_1 = arith.constant 0 : i32
    return %c0_i32, %c0_i32_0 : i32, i32
  }
  func.func @transform_2(%arg0: i32) -> (i32, i32) {
    %c0_i32 = arith.constant 0 : i32
    %c0_i32_0 = arith.constant 0 : i32
    %c0_i32_1 = arith.constant 0 : i32
    return %c0_i32, %c0_i32_0 : i32, i32
  }
}

module attributes {stable_mosaic.version = 14 : i64} {
  func.func @_post_body(%arg0: i32, %arg1: memref<1000x128xf32, #tpu.memory_space<vmem>>, %arg2: memref<1000x128xf32, #tpu.memory_space<vmem>>, %arg3: memref<1000x128xf32, #tpu.memory_space<vmem>>, %arg4: memref<1000x1xf32, #tpu.memory_space<vmem>>, %arg5: memref<128x128xf32, #tpu.memory_space<vmem>>, %arg6: memref<1x128xf32, #tpu.memory_space<vmem>>, %arg7: memref<128x128xf32, #tpu.memory_space<vmem>>, %arg8: memref<128x128xf32, #tpu.memory_space<vmem>>, %arg9: memref<1x128xf32, #tpu.memory_space<vmem>>, %arg10: memref<128x128xf32, #tpu.memory_space<vmem>>, %arg11: memref<1x128xf32, #tpu.memory_space<vmem>>, %arg12: memref<1x128xf32, #tpu.memory_space<vmem>>, %arg13: memref<1x128xf32, #tpu.memory_space<vmem>>, %arg14: memref<1000x128xf32, #tpu.memory_space<vmem>>) attributes {dimension_semantics = [#tpu.dimension_semantics<arbitrary>], iteration_bounds = array<i64: 10>, scalar_prefetch = 0 : i64, scratch_operands = 0 : i64, tpu.core_type = #tpu.core_type<tc>, window_params = [{transform_indices = @transform_0, window_bounds = array<i64: 1000, 128>}, {transform_indices = @transform_1, window_bounds = array<i64: 1000, 128>}, {transform_indices = @transform_2, window_bounds = array<i64: 1000, 128>}, {transform_indices = @transform_3, window_bounds = array<i64: 1000, 1>}, {pipeline_mode = #tpu.pipeline_mode<synchronous>, transform_indices = @transform_4, window_bounds = array<i64: 128, 128>}, {pipeline_mode = #tpu.pipeline_mode<synchronous>, transform_indices = @transform_5, window_bounds = array<i64: 1, 128>}, {pipeline_mode = #tpu.pipeline_mode<synchronous>, transform_indices = @transform_6, window_bounds = array<i64: 128, 128>}, {pipeline_mode = #tpu.pipeline_mode<synchronous>, transform_indices = @transform_7, window_bounds = array<i64: 128, 128>}, {pipeline_mode = #tpu.pipeline_mode<synchronous>, transform_indices = @transform_8, window_bounds = array<i64: 1, 128>}, {pipeline_mode = #tpu.pipeline_mode<synchronous>, transform_indices = @transform_9, window_bounds = array<i64: 128, 128>}, {pipeline_mode = #tpu.pipeline_mode<synchronous>, transform_indices = @transform_10, window_bounds = array<i64: 1, 128>}, {pipeline_mode = #tpu.pipeline_mode<synchronous>, transform_indices = @transform_11, window_bounds = array<i64: 1, 128>}, {pipeline_mode = #tpu.pipeline_mode<synchronous>, transform_indices = @transform_12, window_bounds = array<i64: 1, 128>}, {transform_indices = @transform_13, window_bounds = array<i64: 1000, 128>}]} {
    %get3A = arith.constant 0 : index
    %get3A_0 = arith.constant 0 : index
    %get3A_1 = vector.load %arg2[%get3A, %get3A_0] : memref<1000x128xf32, #tpu.memory_space<vmem>>, vector<1000x128xf32>
    %get3A_2 = arith.constant 0 : index
    %get3A_3 = arith.constant 0 : index
    %get3A_4 = vector.load %arg3[%get3A_2, %get3A_3] : memref<1000x128xf32, #tpu.memory_space<vmem>>, vector<1000x128xf32>
    %add3A = arith.addf %get3A_1, %get3A_4 : vector<1000x128xf32>
    %get3A_5 = arith.constant 0 : index
    %get3A_6 = arith.constant 0 : index
    %get3A_7 = vector.load %arg4[%get3A_5, %get3A_6] : memref<1000x1xf32, #tpu.memory_space<vmem>>, vector<1000x1xf32>
    %get3A_8 = arith.constant 0 : index
    %get3A_9 = arith.constant 0 : index
    %get3A_10 = vector.load %arg1[%get3A_8, %get3A_9] : memref<1000x128xf32, #tpu.memory_space<vmem>>, vector<1000x128xf32>
    %get3A_11 = arith.constant 0 : index
    %get3A_12 = arith.constant 0 : index
    %get3A_13 = vector.load %arg5[%get3A_11, %get3A_12] : memref<128x128xf32, #tpu.memory_space<vmem>>, vector<128x128xf32>
    %dot_general3A = arith.constant dense<0.000000e+00> : vector<1000x128xf32>
    %dot_general3A_14 = tpu.matmul %add3A, %get3A_13, %dot_general3A {dimension_numbers = #tpu.dot_dimension_numbers<[1], [0], [0], [1], [0, 0, 1, 1], [], []>, transpose_lhs_hint = false} : vector<1000x128xf32>, vector<128x128xf32>, vector<1000x128xf32> -> vector<1000x128xf32>
    %get3A_15 = arith.constant 0 : index
    %get3A_16 = arith.constant 0 : index
    %get3A_17 = vector.load %arg6[%get3A_15, %get3A_16] : memref<1x128xf32, #tpu.memory_space<vmem>>, vector<1x128xf32>
    %mul3A = vector.broadcast %get3A_7 : vector<1000x1xf32> to vector<1000x128xf32>
    %mul3A_18 = vector.broadcast %get3A_17 : vector<1x128xf32> to vector<1000x128xf32>
    %mul3A_19 = arith.mulf %mul3A, %mul3A_18 : vector<1000x128xf32>
    %add3A_20 = arith.addf %dot_general3A_14, %mul3A_19 : vector<1000x128xf32>
    %get3A_21 = arith.constant 0 : index
    %get3A_22 = arith.constant 0 : index
    %get3A_23 = vector.load %arg7[%get3A_21, %get3A_22] : memref<128x128xf32, #tpu.memory_space<vmem>>, vector<128x128xf32>
    %dot_general3A_24 = arith.constant dense<0.000000e+00> : vector<1000x128xf32>
    %dot_general3A_25 = tpu.matmul %get3A_10, %get3A_23, %dot_general3A_24 {dimension_numbers = #tpu.dot_dimension_numbers<[1], [0], [0], [1], [0, 0, 1, 1], [], []>, transpose_lhs_hint = false} : vector<1000x128xf32>, vector<128x128xf32>, vector<1000x128xf32> -> vector<1000x128xf32>
    %get3A_26 = arith.constant 0 : index
    %get3A_27 = arith.constant 0 : index
    %get3A_28 = vector.load %arg8[%get3A_26, %get3A_27] : memref<128x128xf32, #tpu.memory_space<vmem>>, vector<128x128xf32>
    %dot_general3A_29 = arith.constant dense<0.000000e+00> : vector<1000x128xf32>
    %dot_general3A_30 = tpu.matmul %add3A_20, %get3A_28, %dot_general3A_29 {dimension_numbers = #tpu.dot_dimension_numbers<[1], [0], [0], [1], [0, 0, 1, 1], [], []>, transpose_lhs_hint = false} : vector<1000x128xf32>, vector<128x128xf32>, vector<1000x128xf32> -> vector<1000x128xf32>
    %add3A_31 = arith.addf %dot_general3A_25, %dot_general3A_30 : vector<1000x128xf32>
    %get3A_32 = arith.constant 0 : index
    %get3A_33 = arith.constant 0 : index
    %get3A_34 = vector.load %arg9[%get3A_32, %get3A_33] : memref<1x128xf32, #tpu.memory_space<vmem>>, vector<1x128xf32>
    %add3A_35 = vector.broadcast %get3A_34 : vector<1x128xf32> to vector<1000x128xf32>
    %add3A_36 = arith.addf %add3A_31, %add3A_35 : vector<1000x128xf32>
    %max3A = arith.constant 0.000000e+00 : f32
    %max3A_37 = vector.broadcast %max3A : f32 to vector<1000x128xf32>
    %max3A_38 = arith.maximumf %add3A_36, %max3A_37 : vector<1000x128xf32>
    %get3A_39 = arith.constant 0 : index
    %get3A_40 = arith.constant 0 : index
    %get3A_41 = vector.load %arg10[%get3A_39, %get3A_40] : memref<128x128xf32, #tpu.memory_space<vmem>>, vector<128x128xf32>
    %dot_general3A_42 = arith.constant dense<0.000000e+00> : vector<1000x128xf32>
    %dot_general3A_43 = tpu.matmul %max3A_38, %get3A_41, %dot_general3A_42 {dimension_numbers = #tpu.dot_dimension_numbers<[1], [0], [0], [1], [0, 0, 1, 1], [], []>, transpose_lhs_hint = false} : vector<1000x128xf32>, vector<128x128xf32>, vector<1000x128xf32> -> vector<1000x128xf32>
    %add3A_44 = arith.addf %get3A_10, %dot_general3A_43 : vector<1000x128xf32>
    %get3A_45 = arith.constant 0 : index
    %get3A_46 = arith.constant 0 : index
    %get3A_47 = vector.load %arg11[%get3A_45, %get3A_46] : memref<1x128xf32, #tpu.memory_space<vmem>>, vector<1x128xf32>
    %add3A_48 = vector.broadcast %get3A_47 : vector<1x128xf32> to vector<1000x128xf32>
    %add3A_49 = arith.addf %add3A_44, %add3A_48 : vector<1000x128xf32>
    %reduce_sum3A = arith.constant dense<0.000000e+00> : vector<1000xf32>
    %reduce_sum3A_50 = vector.multi_reduction <add>, %add3A_49, %reduce_sum3A [1] : vector<1000x128xf32> to vector<1000xf32>
    %broadcast_in_dim3A = vector.shape_cast %reduce_sum3A_50 : vector<1000xf32> to vector<1000x1xf32>
    %div3A = arith.constant 1.280000e+02 : f32
    %div3A_51 = vector.broadcast %div3A : f32 to vector<1000x1xf32>
    %div3A_52 = arith.divf %broadcast_in_dim3A, %div3A_51 : vector<1000x1xf32>
    %sub3A = vector.broadcast %div3A_52 : vector<1000x1xf32> to vector<1000x128xf32>
    %sub3A_53 = arith.subf %add3A_49, %sub3A : vector<1000x128xf32>
    %integer_pow3A = arith.mulf %sub3A_53, %sub3A_53 : vector<1000x128xf32>
    %reduce_sum3A_54 = arith.constant dense<0.000000e+00> : vector<1000xf32>
    %reduce_sum3A_55 = vector.multi_reduction <add>, %integer_pow3A, %reduce_sum3A_54 [1] : vector<1000x128xf32> to vector<1000xf32>
    %broadcast_in_dim3A_56 = vector.shape_cast %reduce_sum3A_55 : vector<1000xf32> to vector<1000x1xf32>
    %div3A_57 = arith.constant 1.280000e+02 : f32
    %div3A_58 = vector.broadcast %div3A_57 : f32 to vector<1000x1xf32>
    %div3A_59 = arith.divf %broadcast_in_dim3A_56, %div3A_58 : vector<1000x1xf32>
    %sub3A_60 = vector.broadcast %div3A_52 : vector<1000x1xf32> to vector<1000x128xf32>
    %sub3A_61 = arith.subf %add3A_49, %sub3A_60 : vector<1000x128xf32>
    %add3A_62 = arith.constant 9.99999974E-6 : f32
    %add3A_63 = vector.broadcast %add3A_62 : f32 to vector<1000x1xf32>
    %add3A_64 = arith.addf %div3A_59, %add3A_63 : vector<1000x1xf32>
    %rsqrt3A = math.rsqrt %add3A_64 : vector<1000x1xf32>
    %mul3A_65 = vector.broadcast %rsqrt3A : vector<1000x1xf32> to vector<1000x128xf32>
    %mul3A_66 = arith.mulf %sub3A_61, %mul3A_65 : vector<1000x128xf32>
    %get3A_67 = arith.constant 0 : index
    %get3A_68 = arith.constant 0 : index
    %get3A_69 = vector.load %arg12[%get3A_67, %get3A_68] : memref<1x128xf32, #tpu.memory_space<vmem>>, vector<1x128xf32>
    %mul3A_70 = vector.broadcast %get3A_69 : vector<1x128xf32> to vector<1000x128xf32>
    %mul3A_71 = arith.mulf %mul3A_66, %mul3A_70 : vector<1000x128xf32>
    %get3A_72 = arith.constant 0 : index
    %get3A_73 = arith.constant 0 : index
    %get3A_74 = vector.load %arg13[%get3A_72, %get3A_73] : memref<1x128xf32, #tpu.memory_space<vmem>>, vector<1x128xf32>
    %add3A_75 = vector.broadcast %get3A_74 : vector<1x128xf32> to vector<1000x128xf32>
    %add3A_76 = arith.addf %mul3A_71, %add3A_75 : vector<1000x128xf32>
    %swap3A = arith.constant 0 : index
    %swap3A_77 = arith.constant 0 : index
    %swap3A_78 = vector.load %arg14[%swap3A, %swap3A_77] : memref<1000x128xf32, #tpu.memory_space<vmem>>, vector<1000x128xf32>
    tpu.vector_store %arg14[%swap3A, %swap3A_77], %add3A_76 {strides = array<i32>} : memref<1000x128xf32, #tpu.memory_space<vmem>>, vector<1000x128xf32>,
    return
  }
  func.func @transform_0(%arg0: i32) -> (i32, i32) {
    %c0_i32 = arith.constant 0 : i32
    %c0_i32_0 = arith.constant 0 : i32
    return %arg0, %c0_i32 : i32, i32
  }
  func.func @transform_1(%arg0: i32) -> (i32, i32) {
    %c0_i32 = arith.constant 0 : i32
    %c0_i32_0 = arith.constant 0 : i32
    return %arg0, %c0_i32 : i32, i32
  }
  func.func @transform_2(%arg0: i32) -> (i32, i32) {
    %c0_i32 = arith.constant 0 : i32
    %c0_i32_0 = arith.constant 0 : i32
    return %arg0, %c0_i32 : i32, i32
  }
  func.func @transform_3(%arg0: i32) -> (i32, i32) {
    %c0_i32 = arith.constant 0 : i32
    %c0_i32_0 = arith.constant 0 : i32
    return %arg0, %c0_i32 : i32, i32
  }
  func.func @transform_4(%arg0: i32) -> (i32, i32) {
    %c0_i32 = arith.constant 0 : i32
    %c0_i32_0 = arith.constant 0 : i32
    %c0_i32_1 = arith.constant 0 : i32
    return %c0_i32, %c0_i32_0 : i32, i32
  }
  func.func @transform_5(%arg0: i32) -> (i32, i32) {
    %c0_i32 = arith.constant 0 : i32
    %c0_i32_0 = arith.constant 0 : i32
    %c0_i32_1 = arith.constant 0 : i32
    return %c0_i32, %c0_i32_0 : i32, i32
  }
  func.func @transform_6(%arg0: i32) -> (i32, i32) {
    %c0_i32 = arith.constant 0 : i32
    %c0_i32_0 = arith.constant 0 : i32
    %c0_i32_1 = arith.constant 0 : i32
    return %c0_i32, %c0_i32_0 : i32, i32
  }
  func.func @transform_7(%arg0: i32) -> (i32, i32) {
    %c0_i32 = arith.constant 0 : i32
    %c0_i32_0 = arith.constant 0 : i32
    %c0_i32_1 = arith.constant 0 : i32
    return %c0_i32, %c0_i32_0 : i32, i32
  }
  func.func @transform_8(%arg0: i32) -> (i32, i32) {
    %c0_i32 = arith.constant 0 : i32
    %c0_i32_0 = arith.constant 0 : i32
    %c0_i32_1 = arith.constant 0 : i32
    return %c0_i32, %c0_i32_0 : i32, i32
  }
  func.func @transform_9(%arg0: i32) -> (i32, i32) {
    %c0_i32 = arith.constant 0 : i32
    %c0_i32_0 = arith.constant 0 : i32
    %c0_i32_1 = arith.constant 0 : i32
    return %c0_i32, %c0_i32_0 : i32, i32
  }
  func.func @transform_10(%arg0: i32) -> (i32, i32) {
    %c0_i32 = arith.constant 0 : i32
    %c0_i32_0 = arith.constant 0 : i32
    %c0_i32_1 = arith.constant 0 : i32
    return %c0_i32, %c0_i32_0 : i32, i32
  }
  func.func @transform_11(%arg0: i32) -> (i32, i32) {
    %c0_i32 = arith.constant 0 : i32
    %c0_i32_0 = arith.constant 0 : i32
    %c0_i32_1 = arith.constant 0 : i32
    return %c0_i32, %c0_i32_0 : i32, i32
  }
  func.func @transform_12(%arg0: i32) -> (i32, i32) {
    %c0_i32 = arith.constant 0 : i32
    %c0_i32_0 = arith.constant 0 : i32
    %c0_i32_1 = arith.constant 0 : i32
    return %c0_i32, %c0_i32_0 : i32, i32
  }
  func.func @transform_13(%arg0: i32) -> (i32, i32) {
    %c0_i32 = arith.constant 0 : i32
    %c0_i32_0 = arith.constant 0 : i32
    return %arg0, %c0_i32 : i32, i32
  }
}

</mosaic_0001>

<sc_bundles>
// kernel: kernel.7.cloned.1.call-start
scs
__scs_entry_jumppad:
0x0: {  	(pc) =	sbr.rel $0x88, $3  }
0x1: {  	(tag) =	ssettag $0x0;
	lr =	simm.s32 $0x1  }
0x2: {  	[smem:$0x3F94] =	sst lr;
	_ =	strace $0xD0000000  }
0x3: {  	_ = 	snop  }
0x4: {  	_ = 	snop  }
0x5: {  	_ = 	snop  }
0x6: {  	_ = 	snop  }
0x7: {  	_ = 	snop  }
__scs_overlays_trampoline_lowered:
0x8: {  	[smem:$0x3FA3] =	sst s0  }
0x9: {  	[smem:$0x3FA4] =	sst s1  }
0xa: {  	[smem:$0x3FA5] =	sst s2  }
0xb: {  	[smem:$0x3FA6] =	sst s3  }
0xc: {  	[smem:$0x3FA7] =	sst s4  }
0xd: {  	[smem:$0x3FA8] =	sst s5  }
0xe: {  	[smem:$0x3FA9] =	sst s6  }
0xf: {  	[smem:$0x3FAA] =	sst s7  }
0x10: {  	[smem:$0x3FAB] =	sst s8  }
0x11: {  	[smem:$0x3FAC] =	sst s9;
	s0 =	simm.s32 @!p0 $0x0  }
0x12: {  	s1 =	sld [smem:$0x3F92];
	s0 =	simm.s32 @p0 $0x1  }
0x13: {  	[smem:$0x3FAD] =	sst s0;
	s0 =	simm.s32 @!p1 $0x0  }
0x14: {  	s2 =	sld [smem:$0x3F91];
	s0 =	simm.s32 @p1 $0x1  }
0x15: {  	[smem:$0x3FAE] =	sst s0;
	s0 =	simm.s32 @!p2 $0x0  }
0x16: {  	s3 =	sld [smem:$0x3FDB];
	s0 =	simm.s32 @p2 $0x1  }
0x17: {  	s4 =	simm.s32 $0x1BF5;
	[smem:$0x3FB0] =	sst s0  }
0x18: {  	s0 =	sld [smem:$0x3F93];
	_ =	swait.ge [sflag:s4], $0x0  }
0x19: {  	s7 =	sld [smem:$0x3F94]  }
0x1a: {  	s8 =	sadd.s32 $0xFFFFE003, lr  }
0x1b: {  	s9 =	sadd.s32 $0xFFFFFEF7, lr;
	s5 =	simm.s32 $0xFFFFFFFF;
	p2 =	slt.u32 s8, $0xFFFFF086  }
0x1c: {  	p1 =	slt.u32 s9, $0xF7A;
	s5 =	simm.s32 @!p2 $0x0  }
0x1d: {  	s5 =	simm.s32 @p1 $0x1;
	p0 =	seq.s32 s7, s2  }
0x1e: {  	s7 =	smul.u32 @!p0 $0xF7A, s2;
	p2 =	seq.s32 @!p0 s5, $0x0  }
0x1f: {  	s9 =	smul.u32 $0xF7A, s1;
	s8 =	simm.s32 @!p0 $0x1BF5;
	p2 =	por !p2, p0  }
0x20: {  	[sflag:s8] =	ssyncset.s32 @!p0 $0xFFFFF086;
	s6 =	sadd.s32 @!p0 s3, s7;
	s7 =	simm.s32 @!p0 $0x108  }
0x21: {  	s3 =	sadd.s32 s3, s9;
	s6 =	sadd.s32 @!p0 $0x88, s6;
	s7 =	simm.s32 @p2 $0x1082  }
0x22: {  	[simem:s7], [sflag:s8] =	dma.local @!p0 [hbm:s6], $0xF7A  }
0x23: {  	s9 =	sor.u32 $0xD0000000, s2;
	s6 =	simm.s32 $0x108;
	_ =	swait.ge @!p0 [sflag:s8], $0x0  }
0x24: {  	s3 =	sadd.s32 $0x88, s3;
	s6 =	simm.s32 @!p1 $0x1082;
	[sflag:s4] =	ssyncset.s32 $0xFFFFF086  }
0x25: {  	[simem:s6], [sflag:s4] =	dma.local [hbm:s3], $0xF7A  }
0x26: {  	[smem:$0x3F94] =	sst s1;
	(tag) =	ssettag s2;
	_ =	strace s9  }
0x27: {  	s1 =	sld [smem:$0x3FA4]  }
0x28: {  	s2 =	sld [smem:$0x3FA5]  }
0x29: {  	s4 =	sld [smem:$0x3FA7]  }
0x2a: {  	p0 =	seq.s32 s5, $0x0;
	s5 =	sld [smem:$0x3FA8]  }
0x2b: {  	s6 =	sld [smem:$0x3FA9]  }
0x2c: {  	s7 =	sld [smem:$0x3FAA]  }
0x2d: {  	s3 =	simm.s32 $0x108;
	s8 =	sld [smem:$0x3FAB]  }
0x2e: {  	s3 =	simm.s32 @!p0 $0x1082;
	s9 =	sld [smem:$0x3FAC]  }
0x2f: {  	lr =	sadd.s32 s0, s3;
	s0 =	sld [smem:$0x3FA3]  }
0x30: {  	s3 =	sld [smem:$0x3FA6]  }
0x31: {  	[smem:$0x3FAF] =	sst s10  }
0x32: {  	s10 =	sld [smem:$0x3FAD];
	_ =	sdelay $0x3  }
0x33: {  	p0 =	seq.s32 s10, $0x1;
	s10 =	sld [smem:$0x3FAF];
	_ =	sdelay $0x3  }
0x34: {  	[smem:$0x3FAF] =	sst s10  }
0x35: {  	s10 =	sld [smem:$0x3FAE];
	_ =	sdelay $0x3  }
0x36: {  	p1 =	seq.s32 s10, $0x1;
	s10 =	sld [smem:$0x3FAF];
	_ =	sdelay $0x3  }
0x37: {  	[smem:$0x3FAF] =	sst s10  }
0x38: {  	s10 =	sld [smem:$0x3FB0]  }
0x39: {  	_ = 	snop;
	(pc) =	sbr.ind lr, $3  }
0x3a: {  	_ = 	snop  }
0x3b: {  	_ = 	snop  }
0x3c: {  	p2 =	seq.s32 s10, $0x1;
	s10 =	sld [smem:$0x3FAF]  }
0x3d: {  	_ =	shalt  }
0x3e: {  	_ =	shalt  }
0x3f: {  	_ =	shalt  }
0x40: {  	_ =	shalt  }
0x41: {  	_ =	shalt  }
0x42: {  	_ =	shalt  }
0x43: {  	_ =	shalt  }
0x44: {  	_ =	shalt  }
0x45: {  	_ =	shalt  }
0x46: {  	_ =	shalt  }
0x47: {  	_ =	shalt  }
0x48: {  	_ =	shalt  }
0x49: {  	_ =	shalt  }
0x4a: {  	_ =	shalt  }
0x4b: {  	_ =	shalt  }
0x4c: {  	_ =	shalt  }
0x4d: {  	_ =	shalt  }
0x4e: {  	_ =	shalt  }
0x4f: {  	_ =	shalt  }
0x50: {  	_ =	shalt  }
0x51: {  	_ =	shalt  }
0x52: {  	_ =	shalt  }
0x53: {  	_ =	shalt  }
0x54: {  	_ =	shalt  }
0x55: {  	_ =	shalt  }
0x56: {  	_ =	shalt  }
0x57: {  	_ =	shalt  }
0x58: {  	_ =	shalt  }
0x59: {  	_ =	shalt  }
0x5a: {  	_ =	shalt  }
0x5b: {  	_ =	shalt  }
0x5c: {  	_ =	shalt  }
0x5d: {  	_ =	shalt  }
0x5e: {  	_ =	shalt  }
0x5f: {  	_ =	shalt  }
0x60: {  	_ =	shalt  }
0x61: {  	_ =	shalt  }
0x62: {  	_ =	shalt  }
0x63: {  	_ =	shalt  }
0x64: {  	_ =	shalt  }
0x65: {  	_ =	shalt  }
0x66: {  	_ =	shalt  }
0x67: {  	_ =	shalt  }
0x68: {  	_ =	shalt  }
0x69: {  	_ =	shalt  }
0x6a: {  	_ =	shalt  }
0x6b: {  	_ =	shalt  }
0x6c: {  	_ =	shalt  }
0x6d: {  	_ =	shalt  }
0x6e: {  	_ =	shalt  }
0x6f: {  	_ =	shalt  }
0x70: {  	_ =	shalt  }
0x71: {  	_ =	shalt  }
0x72: {  	_ =	shalt  }
0x73: {  	_ =	shalt  }
0x74: {  	_ =	shalt  }
0x75: {  	_ =	shalt  }
0x76: {  	_ =	shalt  }
0x77: {  	_ =	shalt  }
0x78: {  	_ =	shalt  }
0x79: {  	_ =	shalt  }
0x7a: {  	_ =	shalt  }
0x7b: {  	_ =	shalt  }
0x7c: {  	_ =	shalt  }
0x7d: {  	_ =	shalt  }
0x7e: {  	_ =	shalt  }
0x7f: {  	_ =	shalt  }
0x80: {  	_ =	shalt  }
0x81: {  	_ =	shalt  }
0x82: {  	_ =	shalt  }
0x83: {  	_ =	shalt  }
0x84: {  	_ =	shalt  }
0x85: {  	_ =	shalt  }
0x86: {  	_ =	shalt  }
0x87: {  	_ =	shalt  }
.Lfunc_end0:
.L_simem_size_0:
called_computation_lowered:
.L_overlay_start_0:
0x88: {  	s2 =	sld [smem:$0x3FD9]  }
0x89: {  	s3 =	sld [smem:$0x3FFE];
	_ =	sdelay $0x1  }
0x8a: {  	s1 =	srdreg.scid  }
0x8b: {  	s0 =	sand.u32 $0x1, s1  }
0x8c: {  	s17 =	sshll.u32 s0, $0xA;
	s2 =	sadd.s32 s3, s2  }
0x8d: {  	s2 =	sadd.s32 s2, s17  }
0x8e: {  	[smem:$0x3FBB] =	sst s2  }
0x8f: {  	_ = 	snop  }
0x90: {  	s2 =	sld [smem:$0x3FD0];
	(tm) =	ssettm $0x1  }
0x91: {  	s18 =	sld [smem:$0x3FFB];
	_ =	sdelay $0x3  }
0x92: {  	_ =	strace s18  }
0x93: {  	s3 =	sld [smem:$0x3FFC];
	_ =	sdelay $0x3  }
0x94: {  	_ =	strace s3  }
0x95: {  	s3 =	sld [smem:$0x3FFD];
	_ =	sdelay $0x3  }
0x96: {  	_ =	strace s3  }
0x97: {  	_ =	strace $0x8FFFFFFF  }
0x98: {  	s19 =	sld [smem:$0x3FDB];
	_ =	sdelay $0x1  }
0x99: {  	s4 =	simm.s32 $_scs_section_size  }
0x9a: {  	s5 =	simm.s32 $_size__tile_overlayer_lowered;
	s6 =	simm.s32 $_tile_overlayer_lowered  }
0x9b: {  	s22 =	simm.s32 $0x1BFF;
	s21 =	sshll.u32 s6, $0x1;
	s3 =	sadd.s32 s4, s19  }
0x9c: {  	s7 =	simm.s32 $0x0;
	s20 =	sshll.u32 s5, $0x1;
	s5 =	sadd.s32 s21, s3  }
0x9d: {  	[timem:s7], [sflag:s22] =	dma.local [hbm:s5], s20  }
0x9e: {  	_ =	swait.ge [sflag:s22], s20  }
0x9f: {  	s4 =	ssub.s32 $0x0, s20;
	[sflag:s22] =	ssyncset.done $0x0  }
0xa0: {  	[sflag:s22] =	ssyncadd.s32 s4;
	_ =	sdelay $0x1  }
0xa1: {  	s23 =	simm.s32 $0x1B8B  }
0xa2: {  	_ =	swait.ge [sflag:s23], $0x1  }
0xa3: {  	[sflag:s23] =	ssyncset.done $0x0  }
0xa4: {  	s25 =	simm.s32 $0x1B8E;
	s24 =	sld [smem:$0x3FFE];
	[sflag:s23] =	ssyncadd.s32 $0xFFFFFFFF  }
0xa5: {  	s26 =	simm.s32 $execute0_lowered;
	[smem:$0x3FD2] =	sst s25  }
0xa6: {  	s5 =	sshll.u32 s26, $0x1;
	_ =	strace $0x80000046;
	[dreg:$0x1] =	wrdreg $0xFFFFFFFF  }
0xa7: {  	s28 =	simm.s32 $_size_execute0_lowered;
	s3 =	sadd.s32 s3, s5;
	[dreg:$0x0] =	wrdreg $0x0  }
0xa8: {  	s5 =	sshll.u32 s28, $0x1;
	[dreg:$0x2] =	wrdreg s3  }
0xa9: {  	[dreg:$0x3] =	wrdreg s5  }
0xaa: {  	[dreg:$0x4] =	wrdreg $0xC0  }
0xab: {  	_ =	task [dreg:s7], $0x5FFFF  }
0xac: {  	[dreg:$0x1] =	wrdreg $0xFFFFFFFF  }
0xad: {  	[dreg:$0x0] =	wrdreg $0x60  }
0xae: {  	[dreg:$0x2] =	wrdreg s2  }
0xaf: {  	[dreg:$0x3] =	wrdreg s24  }
0xb0: {  	[dreg:$0x4] =	wrdreg $0x0  }
0xb1: {  	[dreg:$0x5] =	wrdreg $0x9  }
0xb2: {  	_ =	task.clear_ibuf [dreg:s7], $0x6FFFF;
	_ =	strace $0x90000046  }
0xb3: {  	s29 =	simm.s32 $0x9;
	_ =	strace $0x80000048  }
0xb4: {  	_ =	swait.ge [sflag:s29], $0x1  }
0xb5: {  	[sflag:s29] =	ssyncadd.s32 $0xFFFFFFFF  }
0xb6: {  	_ =	strace $0x90000048  }
0xb7: {  	_ =	sfence  }
0xb8: {  	s30 =	sld [smem:$0x0];
	_ =	sdelay $0x2  }
0xb9: {  	s31 =	sshll.u32 s1, $0xD;
	s1 =	sshrl.u32 s1, $0x2  }
0xba: {  	s3 =	sand.u32 $0x4000, s31;
	s1 =	sadd.s32 s1, s30  }
0xbb: {  	s0 =	sor.u32 s3, s0;
	s1 =	sshll.u32 s1, $0x11  }
0xbc: {  	s0 =	sor.u32 s1, s0  }
0xbd: {  	s0 =	sadd.s32 $0x8F2B, s0  }
0xbe: {  	[sflag:s0] =	ssyncadd.remote.s32 $0x1  }
0xbf: {  	_ =	sfence.sel $0xFFFF  }
0xc0: {  	[dreg:$0x0] =	wrdreg $0xFFFFFFFF;
	(pc) =	sbr.abs _section_cstart, $3  }
0xc1: {  	[dreg:$0x1] =	wrdreg $0xFFFFFFFF  }
0xc2: {  	_ =	task.clear_ibuf [dreg:s7], $0x2FFFF;
	_ =	strace $0x9FFFFFFF  }
0xc3: {  	(tm) =	ssettm $0x7FFFFFFF  }
tec
execute0_lowered:
.L_overlay_start_1:
0x0: {  	(tag) =	ssettag $0x1  }
0x1: {  	s1 =	rddreg [dreg:$0x0]  }
0x2: {  	s0 =	rddreg [dreg:$0x1]  }
0x3: {  	s3 =	rddreg [dreg:$0x2]  }
0x4: {  	s4 =	simm.s32 $0x0;
	s2 =	srdreg.scid;
	s15 =	stileid.u32  }
0x5: {  	s28 =	simm.s32 $0x19A00;
	s29 =	simm.s32 $0x6;
	s30 =	simm.s32 $0x13880  }
0x6: {  	s31 =	simm.s32 $0x13900;
	[smem:$0x7FF] =	sst s4;
	s2 =	sand.u32 $0x1, s2  }
0x7: {  	s23 =	sshll.u32 s15, $0x1;
	s5 =	sadd.s32 $0x9E9200, s0;
	s8 =	sadd.s32 $0x4E5200, s0  }
0x8: {  	s7 =	sadd.s32 $0x3200, s0;
	s24 =	smul.u32 $0x4E000, s15;
	s9 =	sadd.s32 $0x4EF200, s0  }
0x9: {  	s11 =	sadd.s32 $0x2A400, s0;
	s26 =	smul.u32 $0x13800, s15;
	s4 =	sor.u32 s2, s23  }
0xa: {  	p0 =	sne.s32 s15, $0xF;
	s6 =	smul.u32 $0x2780, s4;
	s4 =	sshrl.u32 s24, $0x2  }
0xb: {  	s15 =	simm.s32 $0x1;
	_ =	strace $0x80000047;
	s10 =	sadd.s32 s4, s3  }
0xc: {  	s13 =	ssub.s32 $0x2, s2;
	s2 =	smul.u32 $0x138800, s2;
	s25 =	sadd.s32 $0x2000, s10  }
0xd: {  	s14 =	sshrl.u32 s13, $0x1;
	s16 =	sadd.s32 $0x4000, s10;
	[dreg:$0x4] =	wrdreg s25  }
0xe: {  	s4 =	ssub.s32 s13, s14;
	s17 =	sadd.s32 $0x6000, s10;
	[dreg:$0x5] =	wrdreg s16  }
0xf: {  	s13 =	sadd.s32 s26, s2;
	s18 =	sadd.s32 $0x8000, s10;
	[dreg:$0x6] =	wrdreg s17  }
0x10: {  	s2 =	sshrl.u32 s2, $0x3;
	s19 =	sadd.s32 $0xA000, s10;
	[dreg:$0x7] =	wrdreg s18  }
0x11: {  	s14 =	simm.s32 $0x1BA00;
	s20 =	sadd.s32 $0xC000, s10;
	[dreg:$0x8] =	wrdreg s19  }
0x12: {  	s12 =	sshrl.u32 s6, $0x3;
	s21 =	sadd.s32 $0xE000, s10;
	[dreg:$0x9] =	wrdreg s20  }
0x13: {  	s22 =	sadd.s32 $0x10000, s10;
	s13 =	sshrl.u32 s13, $0x3;
	[dreg:$0xa] =	wrdreg s21  }
0x14: {  	s23 =	sadd.s32 $0x12000, s10;
	s2 =	sadd.s32 s11, s2;
	[dreg:$0xb] =	wrdreg s22  }
0x15: {  	s0 =	sadd.s32 s12, s0;
	[dreg:$0xc] =	wrdreg s23;
	s13 =	sadd.s32 s11, s13  }
0x16: {  	s24 =	sadd.s32 s8, s12;
	s25 =	sadd.s32 s9, s12;
	s26 =	sadd.s32 $0x27000, s2  }
0x17: {  	s2 =	simm.s32 $0x13980;
	s11 =	simm.s32 $0x13A00;
	[dreg:$0xd] =	wrdreg s13  }
0x18: {  	s12 =	simm.s32 $0x15A00;
	s16 =	simm.s32 $0x2;
	[dreg:$0xe] =	wrdreg s24  }
0x19: {  	s17 =	simm.s32 $0x3;
	s18 =	simm.s32 $0x4;
	[dreg:$0xf] =	wrdreg s25  }
0x1a: {  	s19 =	simm.s32 $0x0;
	s0 =	sadd.s32 $0x78600, s0;
	[dreg:$0x11] =	wrdreg s26  }
0x1b: {  	s25 =	smax.u32 s4, $0x1;
	s26 =	sadd.s32 $0x138000, s3;
	s4 =	simm.s32 $0x40  }
0x1c: {  	v0 =	vimm.f32 $0.0e+00;
	vm0 =	vmxor vm0, vm0;
	v1 =	vimm.f32 $1.000000000e+00;
	s13 =	simm.s32 $0x17A00;
	[dreg:$0x10] =	wrdreg s0;
	s0 =	simm.s32 $0x5  }
.LBB2_1:
0x1d: {  	s20 =	simm.s32 $0x0;
	s21 =	simm.s32 $0x200  }
.LBB2_2:
0x1e: {  	p1 =	sne.s32 s21, $0x7E00;
	[tilespmem:s20+$0x19A70] =	vst v0  }
0x1f: {  	[tilespmem:s20+$0x19A00] =	vst v0  }
0x20: {  	[tilespmem:s20+$0x19A10] =	vst v0  }
.Ltmp0:
0x21: {  	[tilespmem:s20+$0x19A20] =	vst v0;
	(pc) =	sbr.rel @p1 .LBB2_2-.Ltmp0, $4  }
0x22: {  	[tilespmem:s20+$0x19A30] =	vst v0  }
0x23: {  	[tilespmem:s20+$0x19A40] =	vst v0  }
0x24: {  	[tilespmem:s20+$0x19A50] =	vst v0  }
0x25: {  	[tilespmem:s20+$0x19A60] =	vst v0;
	s20 =	sshra.s32 s21, $0x2;
	s21 =	sadd.s32 $0x200, s21  }
0x26: {  	[tilespmem:s20+$0x19A70] =	vst v0  }
0x27: {  	[tilespmem:s20+$0x19A00] =	vst v0  }
0x28: {  	[tilespmem:s20+$0x19A10] =	vst v0  }
0x29: {  	[tilespmem:s20+$0x19A20] =	vst v0  }
0x2a: {  	[tilespmem:s20+$0x19A30] =	vst v0  }
0x2b: {  	[tilespmem:s20+$0x19A40] =	vst v0  }
0x2c: {  	[tilespmem:s20+$0x19A50] =	vst v0  }
0x2d: {  	[tilespmem:s20+$0x19A60] =	vst v0;
	s20 =	simm.s32 $0x40;
	s21 =	simm.s32 $0x0  }
.LBB2_4:
0x2e: {  	p1 =	sne.s32 s20, $0x9C00;
	[tilespmem:s21+$0x1BA00] =	vst v0;
	s21 =	smov.u32 s20;
	s20 =	sadd.s32 $0x40, s20  }
.Ltmp1:
0x2f: {  	(pc) =	sbr.rel @p1 .LBB2_4-.Ltmp1, $2  }
0x30: {  	_ =	sdelay $0x2  }
0x31: {  	s21 =	sshra.s32 s21, $0x2  }
0x32: {  	[tilespmem:s21+$0x1BA00] =	vst v0  }
0x33: {  	[spmem:s10] =	stream.linear.scatter [tilespmem:s28], [sflag:$0x6], $0x2000, $0x38;
	[tilespmem:$0x1E180] =	vst v63  }
0x34: {  	_ =	swait.ge [sflag:s29], $0x2000  }
0x35: {  	[sflag:s29] =	ssyncset.done $0x0  }
0x36: {  	s20 =	rddreg [dreg:$0x4];
	[sflag:s29] =	ssyncadd.s32 $0xFFFFE000  }
0x37: {  	[spmem:s20] =	stream.linear.scatter [tilespmem:s28], [sflag:$0x6], $0x2000, $0x38;
	[tilespmem:$0x1E180] =	vst v63  }
0x38: {  	_ =	swait.ge [sflag:s29], $0x2000  }
0x39: {  	[sflag:s29] =	ssyncset.done $0x0  }
0x3a: {  	s23 =	rddreg [dreg:$0x5];
	[sflag:s29] =	ssyncadd.s32 $0xFFFFE000  }
0x3b: {  	[spmem:s23] =	stream.linear.scatter [tilespmem:s28], [sflag:$0x6], $0x2000, $0x38;
	[tilespmem:$0x1E180] =	vst v63  }
0x3c: {  	_ =	swait.ge [sflag:s29], $0x2000  }
0x3d: {  	[sflag:s29] =	ssyncset.done $0x0  }
0x3e: {  	s24 =	rddreg [dreg:$0x6];
	[sflag:s29] =	ssyncadd.s32 $0xFFFFE000  }
0x3f: {  	[spmem:s24] =	stream.linear.scatter [tilespmem:s28], [sflag:$0x6], $0x2000, $0x38;
	[tilespmem:$0x1E180] =	vst v63  }
0x40: {  	_ =	swait.ge [sflag:s29], $0x2000  }
0x41: {  	[sflag:s29] =	ssyncset.done $0x0  }
0x42: {  	s21 =	rddreg [dreg:$0x7];
	[sflag:s29] =	ssyncadd.s32 $0xFFFFE000  }
0x43: {  	[spmem:s21] =	stream.linear.scatter [tilespmem:s28], [sflag:$0x6], $0x2000, $0x38;
	[tilespmem:$0x1E180] =	vst v63  }
0x44: {  	_ =	swait.ge [sflag:s29], $0x2000  }
0x45: {  	[sflag:s29] =	ssyncset.done $0x0  }
0x46: {  	s22 =	rddreg [dreg:$0x8];
	[sflag:s29] =	ssyncadd.s32 $0xFFFFE000  }
0x47: {  	[spmem:s22] =	stream.linear.scatter [tilespmem:s28], [sflag:$0x6], $0x2000, $0x38;
	[tilespmem:$0x1E180] =	vst v63  }
0x48: {  	_ =	swait.ge [sflag:s29], $0x2000  }
0x49: {  	[sflag:s29] =	ssyncset.done $0x0  }
0x4a: {  	s23 =	rddreg [dreg:$0x9];
	[sflag:s29] =	ssyncadd.s32 $0xFFFFE000  }
0x4b: {  	[spmem:s23] =	stream.linear.scatter [tilespmem:s28], [sflag:$0x6], $0x2000, $0x38;
	[tilespmem:$0x1E180] =	vst v63  }
0x4c: {  	_ =	swait.ge [sflag:s29], $0x2000  }
0x4d: {  	[sflag:s29] =	ssyncset.done $0x0  }
0x4e: {  	s24 =	rddreg [dreg:$0xa];
	[sflag:s29] =	ssyncadd.s32 $0xFFFFE000  }
0x4f: {  	[spmem:s24] =	stream.linear.scatter [tilespmem:s28], [sflag:$0x6], $0x2000, $0x38;
	[tilespmem:$0x1E180] =	vst v63  }
0x50: {  	_ =	swait.ge [sflag:s29], $0x2000  }
0x51: {  	[sflag:s29] =	ssyncset.done $0x0  }
0x52: {  	s21 =	rddreg [dreg:$0xb];
	[sflag:s29] =	ssyncadd.s32 $0xFFFFE000  }
0x53: {  	[spmem:s21] =	stream.linear.scatter [tilespmem:s28], [sflag:$0x6], $0x2000, $0x38;
	[tilespmem:$0x1E180] =	vst v63  }
0x54: {  	_ =	swait.ge [sflag:s29], $0x2000  }
0x55: {  	[sflag:s29] =	ssyncset.done $0x0  }
0x56: {  	s22 =	rddreg [dreg:$0xc];
	[sflag:s29] =	ssyncadd.s32 $0xFFFFE000  }
0x57: {  	[spmem:s22] =	stream.linear.scatter [tilespmem:s28], [sflag:$0x6], $0x1800, $0x38;
	[tilespmem:$0x1E180] =	vst v63  }
0x58: {  	_ =	swait.ge [sflag:s29], $0x1800  }
0x59: {  	[sflag:s29] =	ssyncset.done $0x0  }
0x5a: {  	s20 =	simm.s32 @!p0 $0x19A00;
	[sflag:s29] =	ssyncadd.s32 $0xFFFFE800  }
0x5b: {  	[spmem:s26] =	stream.linear.scatter @!p0 [tilespmem:s20], [sflag:$0x6], $0x800, $0x38;
	[tilespmem:$0x1E180] =	vst v63  }
0x5c: {  	s20 =	simm.s32 @!p0 $0x6  }
0x5d: {  	_ =	swait.ge @!p0 [sflag:s20], $0x800  }
0x5e: {  	[sflag:s20] =	ssyncset.done @!p0 $0x0  }
0x5f: {  	[sflag:s20] =	ssyncadd.s32 @!p0 $0xFFFFF800  }
0x60: {  	[bflag:$0x0] =	sbarrier.arrive $0xFFFF  }
0x61: {  	s20 =	simm.s32 $0x0;
	s23 =	rddreg [dreg:$0xe]  }
0x62: {  	[tilespmem:s30], [sflag:$0x5] =	stream.linear.gather [hbm4b:s23+s20], $0x40, $0x38;
	[tilespmem:$0x1E180] =	vst v63  }
0x63: {  	s24 =	rddreg [dreg:$0xf]  }
0x64: {  	[tilespmem:s31], [sflag:$0x5] =	stream.linear.gather [hbm4b:s24+s20], $0x40, $0x38;
	[tilespmem:$0x1E180] =	vst v63  }
0x65: {  	_ =	swait.ge [sflag:s0], $0x40  }
0x66: {  	[sflag:s0] =	ssyncset.done $0x0  }
0x67: {  	[sflag:s0] =	ssyncadd.s32 $0xFFFFFFC0  }
0x68: {  	_ =	swait.ge [sflag:s0], $0x40  }
0x69: {  	[sflag:s0] =	ssyncset.done $0x0  }
0x6a: {  	[sflag:s0] =	ssyncadd.s32 $0xFFFFFFC0  }
0x6b: {  	v2 =	vld [tilespmem:$0x13900]  }
0x6c: {  	v3 =	vld [tilespmem:$0x13910]  }
0x6d: {  	v4 =	vld [tilespmem:$0x13920]  }
0x6e: {  	v5 =	vld [tilespmem:$0x13930];
	_ =	sdelay $0x1  }
0x6f: {  	[tilespmem:$0x13980] =	vst v2  }
0x70: {  	[tilespmem:$0x13990] =	vst v3  }
0x71: {  	[tilespmem:$0x139A0] =	vst v4  }
0x72: {  	s21 =	simm.s32 $0x0;
	[tilespmem:$0x139B0] =	vst v5  }
0x73: {  	[spmem:s3] =	stream.indirect.scatter.add.f32 [tilespmem:s28], [sflag:$0x4], $0x80, s2, s4, $0xb8;
	[tilespmem:$0x1E180] =	vst v63  }
.LBB2_6:
0x74: {  	[tilespmem:s11], [sflag:$0x1] =	stream.indirect.gather [hbm4b:s1+s4], $0x80, s30, s4, $0xb8;
	[tilespmem:$0x1E180] =	vst v63  }
0x75: {  	s22 =	sshll.u32 s21, $0x6  }
0x76: {  	s22 =	sadd.s32 s6, s22  }
0x77: {  	[tilespmem:s12], [sflag:$0x2] =	stream.indirect.gather [hbm4b:s7+s4], $0x80, s31, s4, $0xb8;
	[tilespmem:$0x1E180] =	vst v63  }
0x78: {  	s23 =	sshll.u32 s22, $0x4  }
0x79: {  	s23 =	sadd.s32 s5, s23  }
0x7a: {  	[tilespmem:s13], [sflag:$0x3] =	stream.linear.gather [hbm4b:s23+s20], $0x2000, $0x38;
	[tilespmem:$0x1E180] =	vst v63  }
0x7b: {  	v2 =	vld [tilespmem:$0x13900]  }
0x7c: {  	vm1 =	vmmov vm0;
	p1 =	slt.u32 s22, $0x4E200  }
0x7d: {  	vm1 =	vmneg @p1 vm1;
	_ =	sdelay $0x5  }
0x7e: {  	[tilespmem:v2+s14+$0x0] =	vst.idx.add.f32.msk vm1, v1  }
0x7f: {  	s24 =	sor.u32 $0x10, s22;
	v2 =	vld [tilespmem:$0x13910]  }
0x80: {  	p1 =	slt.u32 s24, $0x4E200;
	vm1 =	vmmov vm0  }
0x81: {  	vm1 =	vmneg @p1 vm1;
	_ =	sdelay $0x5  }
0x82: {  	[tilespmem:v2+s14+$0x0] =	vst.idx.add.f32.msk vm1, v1  }
0x83: {  	s24 =	sor.u32 $0x20, s22;
	v2 =	vld [tilespmem:$0x13920]  }
0x84: {  	p1 =	slt.u32 s24, $0x4E200;
	vm1 =	vmmov vm0  }
0x85: {  	vm1 =	vmneg @p1 vm1;
	_ =	sdelay $0x5  }
0x86: {  	[tilespmem:v2+s14+$0x0] =	vst.idx.add.f32.msk vm1, v1  }
0x87: {  	s24 =	sor.u32 $0x30, s22;
	v2 =	vld [tilespmem:$0x13930]  }
0x88: {  	p1 =	slt.u32 s24, $0x4E200;
	vm1 =	vmmov vm0  }
0x89: {  	vm1 =	vmneg @p1 vm1;
	_ =	sdelay $0x5  }
0x8a: {  	[tilespmem:v2+s14+$0x0] =	vst.idx.add.f32.msk vm1, v1  }
0x8b: {  	_ =	swait.ge [sflag:s15], $0x2000  }
0x8c: {  	[sflag:s15] =	ssyncset.done $0x0  }
0x8d: {  	[sflag:s15] =	ssyncadd.s32 $0xFFFFE000  }
0x8e: {  	_ =	swait.ge [sflag:s16], $0x2000  }
0x8f: {  	[sflag:s16] =	ssyncset.done $0x0  }
0x90: {  	[sflag:s16] =	ssyncadd.s32 $0xFFFFE000  }
0x91: {  	_ =	swait.ge [sflag:s17], $0x2000  }
0x92: {  	[sflag:s17] =	ssyncset.done $0x0  }
0x93: {  	[sflag:s17] =	ssyncadd.s32 $0xFFFFE000  }
0x94: {  	_ =	swait.ge [sflag:s18], $0x2000  }
0x95: {  	[sflag:s18] =	ssyncset.done $0x0  }
0x96: {  	[sflag:s18] =	ssyncadd.s32 $0xFFFFE000  }
0x97: {  	v2 =	vld [tilespmem:$0x13900]  }
0x98: {  	v3 =	vld [tilespmem:$0x13910]  }
0x99: {  	v4 =	vld [tilespmem:$0x13920]  }
0x9a: {  	v5 =	vld [tilespmem:$0x13930];
	_ =	sdelay $0x1  }
0x9b: {  	[tilespmem:$0x13980] =	vst v2  }
0x9c: {  	s22 =	sshrl.u32 s22, $0x3;
	[tilespmem:$0x13990] =	vst v3  }
0x9d: {  	s22 =	sadd.s32 $0x8, s22;
	[tilespmem:$0x139A0] =	vst v4  }
0x9e: {  	s24 =	sadd.s32 s8, s22;
	[tilespmem:$0x139B0] =	vst v5  }
0x9f: {  	[tilespmem:s30], [sflag:$0x5] =	stream.linear.gather [hbm4b:s24+s20], $0x40, $0x38;
	[tilespmem:$0x1E180] =	vst v63  }
0xa0: {  	s22 =	sadd.s32 s9, s22  }
0xa1: {  	[tilespmem:s31], [sflag:$0x5] =	stream.linear.gather [hbm4b:s22+s20], $0x40, $0x38;
	[tilespmem:$0x1E180] =	vst v63  }
0xa2: {  	s22 =	simm.s32 $0x0  }
0xa3: {  	v2 =	vld [tilespmem:s22+$0x13A70]  }
0xa4: {  	v3 =	vld [tilespmem:s22+$0x15A70]  }
0xa5: {  	v4 =	vld [tilespmem:s22+$0x13A00]  }
0xa6: {  	v5 =	vld [tilespmem:s22+$0x17A70]  }
0xa7: {  	v6 =	vld [tilespmem:s22+$0x15A00]  }
0xa8: {  	v7 =	vld [tilespmem:s22+$0x13A10]  }
0xa9: {  	v8 =	vld [tilespmem:s22+$0x15A10]  }
0xaa: {  	v9 =	vld [tilespmem:s22+$0x15A20]  }
0xab: {  	v11 =	vld [tilespmem:s22+$0x15A30]  }
0xac: {  	v12 =	vld [tilespmem:s22+$0x13A40]  }
0xad: {  	v13 =	vld [tilespmem:s22+$0x13A50]  }
0xae: {  	v14 =	vld [tilespmem:s22+$0x15A50]  }
0xaf: {  	v15 =	vld [tilespmem:s22+$0x13A60];
	v2 =	vadd.f32 v3, v2  }
0xb0: {  	v16 =	vld [tilespmem:s22+$0x15A60]  }
0xb1: {  	v17 =	vld [tilespmem:s22+$0x17A00];
	v2 =	vadd.f32 v5, v2  }
0xb2: {  	v3 =	vld [tilespmem:s22+$0x13A20]  }
0xb3: {  	v5 =	vld [tilespmem:s22+$0x13A30];
	v2 =	vmax.f32 v2, $0.0e+00  }
0xb4: {  	[tilespmem:s22+$0x19A70] =	vst v2;
	v2 =	vld [tilespmem:s22+$0x15A40]  }
0xb5: {  	v18 =	vld [tilespmem:s22+$0x17A10]  }
0xb6: {  	v19 =	vld [tilespmem:s22+$0x17A20]  }
0xb7: {  	v10 =	vld [tilespmem:s22+$0x17A30];
	v4 =	vadd.f32 v6, v4;
	v20 =	vadd.f32 v8, v7  }
0xb8: {  	v21 =	vadd.f32 v9, v3;
	v9 =	vld [tilespmem:s22+$0x17A40];
	v6 =	vadd.f32 v11, v5  }
0xb9: {  	v8 =	vld [tilespmem:s22+$0x17A50];
	v5 =	vadd.f32 v2, v12;
	v12 =	vadd.f32 v17, v4  }
0xba: {  	s23 =	simm.s32 $0x80;
	v7 =	vld [tilespmem:s22+$0x17A60];
	v11 =	vadd.f32 v18, v20;
	v4 =	vadd.f32 v14, v13  }
0xbb: {  	s24 =	simm.s32 $0x400;
	v3 =	vld [tilespmem:s23+$0x13A70];
	v2 =	vadd.f32 v16, v15;
	v13 =	vmax.f32 v12, $0.0e+00;
	v12 =	vadd.f32 v19, v21  }
.LBB2_7:
0xbc: {  	p1 =	sne.s32 s24, $0x7E00;
	v14 =	vld [tilespmem:s23+$0x15A70];
	[tilespmem:s22+$0x19A00] =	vst v13;
	v11 =	vmax.f32 v11, $0.0e+00;
	v6 =	vadd.f32 v10, v6  }
0xbd: {  	v10 =	vld [tilespmem:s23+$0x13A00];
	[tilespmem:s22+$0x19A10] =	vst v11;
	v11 =	vmax.f32 v12, $0.0e+00;
	v5 =	vadd.f32 v9, v5  }
0xbe: {  	v9 =	vld [tilespmem:s23+$0x17A70];
	[tilespmem:s22+$0x19A20] =	vst v11;
	v6 =	vmax.f32 v6, $0.0e+00;
	v4 =	vadd.f32 v8, v4  }
0xbf: {  	v8 =	vld [tilespmem:s23+$0x15A00];
	[tilespmem:s22+$0x19A30] =	vst v6;
	v5 =	vmax.f32 v5, $0.0e+00;
	v2 =	vadd.f32 v7, v2  }
0xc0: {  	v6 =	vld [tilespmem:s23+$0x13A10];
	[tilespmem:s22+$0x19A40] =	vst v5;
	v4 =	vmax.f32 v4, $0.0e+00  }
0xc1: {  	v5 =	vld [tilespmem:s23+$0x15A10];
	v3 =	vadd.f32 v14, v3;
	[tilespmem:s22+$0x19A50] =	vst v4;
	v2 =	vmax.f32 v2, $0.0e+00  }
0xc2: {  	v4 =	vld [tilespmem:s23+$0x13A20];
	[tilespmem:s22+$0x19A60] =	vst v2;
	s22 =	smov.u32 s23  }
0xc3: {  	v2 =	vld [tilespmem:s22+$0x15A20];
	v3 =	vadd.f32 v9, v3  }
0xc4: {  	v7 =	vadd.f32 v8, v10;
	v8 =	vld [tilespmem:s22+$0x13A30]  }
0xc5: {  	v9 =	vld [tilespmem:s22+$0x15A30];
	v3 =	vmax.f32 v3, $0.0e+00  }
0xc6: {  	v11 =	vadd.f32 v5, v6;
	v5 =	vld [tilespmem:s22+$0x13A40];
	[tilespmem:s22+$0x19A70] =	vst v3  }
0xc7: {  	v3 =	vld [tilespmem:s22+$0x15A40]  }
0xc8: {  	v12 =	vadd.f32 v2, v4;
	v2 =	vld [tilespmem:s22+$0x13A50]  }
0xc9: {  	v4 =	vld [tilespmem:s22+$0x15A50]  }
0xca: {  	v6 =	vadd.f32 v9, v8;
	v8 =	vld [tilespmem:s22+$0x13A60]  }
0xcb: {  	v13 =	vld [tilespmem:s22+$0x15A60]  }
0xcc: {  	v14 =	vld [tilespmem:s22+$0x17A00];
	v5 =	vadd.f32 v3, v5  }
0xcd: {  	v3 =	vld [tilespmem:s22+$0x17A10]  }
0xce: {  	v15 =	vld [tilespmem:s22+$0x17A20];
	v4 =	vadd.f32 v4, v2  }
.Ltmp2:
0xcf: {  	v10 =	vld [tilespmem:s22+$0x17A30];
	(pc) =	sbr.rel @p1 .LBB2_7-.Ltmp2, $4  }
0xd0: {  	v9 =	vld [tilespmem:s22+$0x17A40];
	v2 =	vadd.f32 v13, v8  }
0xd1: {  	v13 =	vadd.f32 v14, v7;
	v8 =	vld [tilespmem:s22+$0x17A50]  }
0xd2: {  	s23 =	sshra.s32 s24, $0x2;
	v11 =	vadd.f32 v3, v11;
	v7 =	vld [tilespmem:s22+$0x17A60]  }
0xd3: {  	s24 =	sadd.s32 $0x200, s24;
	v3 =	vld [tilespmem:s23+$0x13A70];
	v13 =	vmax.f32 v13, $0.0e+00;
	v12 =	vadd.f32 v15, v12  }
0xd4: {  	v14 =	vld [tilespmem:s23+$0x15A70];
	[tilespmem:s22+$0x19A00] =	vst v13;
	v11 =	vmax.f32 v11, $0.0e+00;
	v6 =	vadd.f32 v10, v6  }
0xd5: {  	v13 =	vld [tilespmem:s23+$0x13A00];
	[tilespmem:s22+$0x19A10] =	vst v11;
	v47 =	vmax.f32 v12, $0.0e+00;
	v5 =	vadd.f32 v9, v5  }
0xd6: {  	v11 =	vld [tilespmem:s23+$0x17A70];
	[tilespmem:s22+$0x19A20] =	vst v47;
	v6 =	vmax.f32 v6, $0.0e+00;
	v4 =	vadd.f32 v8, v4  }
0xd7: {  	v48 =	vld [tilespmem:s23+$0x15A00];
	[tilespmem:s22+$0x19A30] =	vst v6;
	v5 =	vmax.f32 v5, $0.0e+00;
	v2 =	vadd.f32 v7, v2  }
0xd8: {  	v6 =	vld [tilespmem:s23+$0x13A10];
	[tilespmem:s22+$0x19A40] =	vst v5;
	v4 =	vmax.f32 v4, $0.0e+00  }
0xd9: {  	v5 =	vld [tilespmem:s23+$0x15A10];
	[tilespmem:s22+$0x19A50] =	vst v4;
	v2 =	vmax.f32 v2, $0.0e+00  }
0xda: {  	v4 =	vld [tilespmem:s23+$0x13A20];
	[tilespmem:s22+$0x19A60] =	vst v2  }
0xdb: {  	v2 =	vld [tilespmem:s23+$0x15A20]  }
0xdc: {  	v49 =	vld [tilespmem:s23+$0x13A30]  }
0xdd: {  	v50 =	vld [tilespmem:s23+$0x15A30]  }
0xde: {  	v10 =	vld [tilespmem:s23+$0x13A40]  }
0xdf: {  	v51 =	vld [tilespmem:s23+$0x13A50]  }
0xe0: {  	v52 =	vld [tilespmem:s23+$0x15A50]  }
0xe1: {  	v3 =	vadd.f32 v14, v3;
	v53 =	vld [tilespmem:s23+$0x13A60]  }
0xe2: {  	v15 =	vld [tilespmem:s23+$0x15A60]  }
0xe3: {  	v3 =	vadd.f32 v11, v3;
	v16 =	vld [tilespmem:s23+$0x17A00]  }
0xe4: {  	v17 =	vld [tilespmem:s23+$0x17A10]  }
0xe5: {  	v18 =	vld [tilespmem:s23+$0x17A20];
	v3 =	vmax.f32 v3, $0.0e+00  }
0xe6: {  	[tilespmem:s23+$0x19A70] =	vst v3;
	v3 =	vld [tilespmem:s23+$0x15A40]  }
0xe7: {  	v54 =	vld [tilespmem:s23+$0x17A30];
	v9 =	vadd.f32 v48, v13  }
0xe8: {  	v55 =	vld [tilespmem:s23+$0x17A40];
	v5 =	vadd.f32 v5, v6  }
0xe9: {  	v57 =	vld [tilespmem:s23+$0x17A50];
	v2 =	vadd.f32 v2, v4;
	v56 =	vadd.f32 v16, v9  }
0xea: {  	v58 =	vld [tilespmem:s23+$0x17A60];
	v7 =	vadd.f32 v50, v49;
	v5 =	vadd.f32 v17, v5  }
0xeb: {  	v2 =	vadd.f32 v18, v2;
	v4 =	vmax.f32 v56, $0.0e+00;
	v3 =	vadd.f32 v3, v10  }
0xec: {  	v59 =	vadd.f32 v52, v51;
	v60 =	vmax.f32 v5, $0.0e+00;
	v61 =	vadd.f32 v54, v7;
	[tilespmem:s23+$0x19A00] =	vst v4  }
0xed: {  	v62 =	vadd.f32 v15, v53;
	[tilespmem:s23+$0x19A10] =	vst v60;
	v2 =	vmax.f32 v2, $0.0e+00;
	v3 =	vadd.f32 v55, v3  }
0xee: {  	v63 =	vadd.f32 v57, v59;
	[tilespmem:s23+$0x19A20] =	vst v2;
	v2 =	vmax.f32 v61, $0.0e+00  }
0xef: {  	[tilespmem:s23+$0x19A30] =	vst v2;
	v2 =	vmax.f32 v3, $0.0e+00;
	v3 =	vadd.f32 v58, v62  }
0xf0: {  	[tilespmem:s23+$0x19A40] =	vst v2;
	v2 =	vmax.f32 v63, $0.0e+00  }
0xf1: {  	[tilespmem:s23+$0x19A50] =	vst v2;
	v2 =	vmax.f32 v3, $0.0e+00  }
0xf2: {  	s21 =	sadd.s32 $0x1, s21;
	[tilespmem:s23+$0x19A60] =	vst v2  }
0xf3: {  	[spmem:s3] =	stream.indirect.scatter.add.f32 [tilespmem:s28], [sflag:$0x4], $0x80, s2, s4, $0xb8;
	[tilespmem:$0x1E180] =	vst v63  }
0xf4: {  	p1 =	sne.s32 s21, $0x9E;
	_ =	swait.ge [sflag:s0], $0x40  }
.Ltmp3:
0xf5: {  	[sflag:s0] =	ssyncset.done $0x0;
	(pc) =	sbr.rel @p1 .LBB2_6-.Ltmp3, $4  }
0xf6: {  	[sflag:s0] =	ssyncadd.s32 $0xFFFFFFC0  }
0xf7: {  	_ =	swait.ge [sflag:s0], $0x40  }
0xf8: {  	[sflag:s0] =	ssyncset.done $0x0  }
0xf9: {  	[sflag:s0] =	ssyncadd.s32 $0xFFFFFFC0  }
0xfa: {  	_ =	swait.ge [sflag:s18], $0x2000  }
0xfb: {  	[sflag:s18] =	ssyncset.done $0x0  }
0xfc: {  	s20 =	simm.s32 $0x0;
	s21 =	rddreg [dreg:$0x10];
	[sflag:s18] =	ssyncadd.s32 $0xFFFFE000  }
0xfd: {  	[hbm4b:s21+s20] =	stream.linear.scatter [tilespmem:s14], [sflag:$0x6], $0x2780, $0x38;
	[tilespmem:$0x1E180] =	vst v63  }
0xfe: {  	_ =	swait.ge [sflag:s29], $0x2780  }
0xff: {  	[sflag:s29] =	ssyncset.done $0x0  }
0x100: {  	s23 =	stileid.u32;
	[sflag:s29] =	ssyncadd.s32 $0xFFFFD880  }
0x101: {  	s20 =	sshll.u32 s23, $0x6;
	[bflag:$0x0] =	sbarrier.arrive $0xFFFF  }
0x102: {  	s24 =	sshrl.u32 s10, $0x3;
	s20 =	sor.u32 $0x1C06, s20;
	s22 =	rddreg [dreg:$0xd]  }
0x103: {  	[hbm:s22], [sflag:s20] =	dma.local [spmem:s24], $0x2700  }
0x104: {  	s19 =	sadd.s32 $0x1, s19;
	_ =	swait.ge [sflag:s29], $0x2700  }
0x105: {  	p1 =	sne.s32 s19, s25;
	[sflag:s29] =	ssyncset.done $0x0  }
0x106: {  	s21 =	sshrl.u32 @!p0 s26, $0x3;
	s22 =	rddreg [dreg:$0x11];
	[sflag:s29] =	ssyncadd.s32 $0xFFFFD900  }
0x107: {  	[hbm:s22], [sflag:s20] =	dma.local @!p0 [spmem:s21], $0x100  }
.Ltmp4:
0x108: {  	_ = 	snop;
	(pc) =	sbr.rel @p1 .LBB2_1-.Ltmp4, $4  }
0x109: {  	s20 =	simm.s32 @!p0 $0x6  }
0x10a: {  	_ =	swait.ge @!p0 [sflag:s20], $0x100  }
0x10b: {  	[sflag:s20] =	ssyncset.done @!p0 $0x0  }
0x10c: {  	[sflag:s20] =	ssyncadd.s32 @!p0 $0xFFFFFF00  }
0x10d: {  	_ =	sfence.sel $0x180000  }
0x10e: {  	[bflag:$0x0] =	sbarrier.arrive $0xFFFF  }
0x10f: {  	_ =	strace $0x90000047  }
0x110: {  	s0 =	stileid.u32;
	[bflag:$0x2] =	sbarrier.arrive $0xFFFF  }
0x111: {  	p0 =	sne.s32 s0, $0x0;
	s0 =	rddreg [dreg:$0x3]  }
0x112: {  	s0 =	sadd.s32 @!p0 $0x100000, s0  }
0x113: {  	[sflag:s0] =	ssyncadd.tile.s32 @!p0 $0x1;
	_ =	shalt  }
.Lfunc_end2:
_tile_overlayer_lowered:
.L_overlay_start_2:
0x114: {  	(tag) =	ssettag $0x2  }
0x115: {  	s0 =	rddreg [dreg:$0x0];
	s2 =	stileid.u32  }
0x116: {  	s1 =	rddreg [dreg:$0x1];
	p0 =	sne.s32 s2, $0x0  }
0x117: {  	s3 =	rddreg [dreg:$0x2];
	[bflag:$0x3] =	sbarrier.arrive $0xFFFF;
	s2 =	simm.s32 @!p0 $0x1C06  }
0x118: {  	[timem:s3], [sflag:s2] =	dma.local @!p0 [hbm:s0], s1  }
0x119: {  	s0 =	simm.s32 @!p0 $0x6  }
0x11a: {  	_ =	swait.ge @!p0 [sflag:s0], s1  }
0x11b: {  	s1 =	ssub.s32 @!p0 $0x0, s1;
	[sflag:s0] =	ssyncset.done @!p0 $0x0  }
0x11c: {  	[sflag:s0] =	ssyncadd.s32 @!p0 s1  }
0x11d: {  	[bflag:$0x3] =	sbarrier.arrive $0xFFFF  }
0x11e: {  	_ =	shalt  }

</sc_bundles>
